<compile_context>
chip_gen: v7x
topology: tpu7x:2x2x1
jax: 0.10.2.dev20260603
libtpu: 0.0.44.dev20260713+nightly
codegen_flags: <defaults>
</compile_context>

<pallas_src>
import functools

import jax
import jax.numpy as jnp
from jax import lax
from jax.experimental import pallas as pl
from jax.experimental.pallas import tpu as pltpu
from jax.experimental.pallas import tpu_sc as plsc

_SEQ = 200
_DIM = 64
_BATCH = 4096
_REP = 4


@jax.jit
def _pos_broadcast(pos_embedding):
    info = plsc.get_sparse_core_info()
    nw = info.num_cores * info.num_subcores
    per_w = _BATCH // nw
    n_dma = per_w // _REP

    mesh = plsc.VectorSubcoreMesh(core_axis_name="c", subcore_axis_name="s")

    @functools.partial(
        pl.kernel,
        mesh=mesh,
        out_type=jax.ShapeDtypeStruct((_BATCH, _SEQ, _DIM), jnp.float32),
        scratch_types=[
            pltpu.VMEM((_REP, _SEQ, _DIM), jnp.float32),
            pltpu.SemaphoreType.DMA,
        ],
    )
    def k(table_hbm, out_hbm, rep_v, sem):
        for r in range(_REP):
            pltpu.sync_copy(table_hbm, rep_v.at[r])
        wid = lax.axis_index("s") * info.num_cores + lax.axis_index("c")
        base = wid * per_w
        copies = [
            pltpu.async_copy(
                rep_v, out_hbm.at[pl.ds(base + i * _REP, _REP)], sem
            )
            for i in range(n_dma)
        ]
        for c in copies:
            c.wait()

    return k(pos_embedding)


def kernel(input_ids, pos_embedding):
    del input_ids
    return _pos_broadcast(pos_embedding)

# --- scband reference (transcript-rebuilt; emitter-appended) ---
"""Pipeline reference for scband-positional-embedding-29609504539436 (READ-ONLY COPY).

The authoritative reference and input builder live on the scoring server;
editing this copy changes nothing except your own understanding.
"""

import jax, jax.numpy as jnp
import numpy as np

MAX_SEQ_LEN = 200
EMBED_DIM = 64
INIT_STD = 0.02

def setup_inputs(seed: int = 0) -> dict:
    key = jax.random.key(seed)
    k1, k2 = jax.random.split(key)
    input_ids = jax.random.randint(k1, (4096, 200), 0, 1000, dtype=jnp.int64 if jax.config.jax_enable_x64 else jnp.int32)
    pos_embedding = jax.random.normal(k2, (MAX_SEQ_LEN, EMBED_DIM), dtype=jnp.float32) * INIT_STD
    return {"input_ids": input_ids, "pos_embedding": pos_embedding}

def reference(input_ids, pos_embedding):
    batch_size, seq_len = input_ids.shape
    positions = jnp.arange(seq_len, dtype=jnp.int32)[None, :]
    positions = jnp.broadcast_to(positions, (batch_size, seq_len))
    # embedding lookup: gather rows of the positional table
    return jnp.take(pos_embedding, positions, axis=0)

if __name__ == "__main__":
    import jax
    _d = setup_inputs()
    print(jax.jit(kernel)(*tuple(_d.values())))

</pallas_src>

<mosaic_0001>
#map = affine_map<(d0, d1) -> (0, 0)>
#map1 = affine_map<(d0, d1) -> (0, 0, 0)>
module attributes {stable_mosaic.version = 14 : i64} {
  func.func @k(%arg0: i32, %arg1: i32, %arg2: memref<200x64xf32, #tpu.memory_space<hbm>>, %arg3: memref<4096x200x64xf32, #tpu.memory_space<hbm>>, %arg4: memref<4x200x64xf32, #tpu.memory_space<vmem>>, %arg5: memref<!tpu.dma_semaphore, #tpu.memory_space<semaphore_mem>>) attributes {dimension_semantics = [#tpu.dimension_semantics<core_parallel>, #tpu.dimension_semantics<subcore_parallel>], iteration_bounds = array<i64: 2, 16>, scalar_prefetch = 0 : i64, scratch_operands = 2 : i64, tpu.core_type = #tpu.core_type<sc_vector_subcore>, window_params = [{transform_indices = #map}, {transform_indices = #map1}]} {
    %run_scoped3A = arith.constant 0 : i32
    "tpu.region"() ({
      %run_scoped3A_452 = tpu.sem_alloc : memref<!tpu.dma_semaphore, #tpu.memory_space<semaphore_mem>>
      %dma_start3A_453 = arith.constant 0 : i32
      %dma_start3A_454 = arith.constant 0 : i32
      %dma_start3A_455 = tpu.memref_slice %arg4[%run_scoped3A, %dma_start3A_453, %dma_start3A_454] : memref<4x200x64xf32, #tpu.memory_space<vmem>> -> memref<1x200x64xf32, #tpu.memory_space<vmem>>
      %dma_start3A_456 = tpu.memref_squeeze %dma_start3A_455 : memref<1x200x64xf32, #tpu.memory_space<vmem>> -> memref<200x64xf32, #tpu.memory_space<vmem>>
      %dma_start3A_457 = arith.constant 0 : i32
      %dma_start3A_458 = arith.constant 0 : i32
      %dma_start3A_459 = tpu.memref_slice %arg4[%run_scoped3A, %dma_start3A_457, %dma_start3A_458] : memref<4x200x64xf32, #tpu.memory_space<vmem>> -> memref<1x200x64xf32, #tpu.memory_space<vmem>>
      %dma_start3A_460 = tpu.memref_squeeze %dma_start3A_459 : memref<1x200x64xf32, #tpu.memory_space<vmem>> -> memref<200x64xf32, #tpu.memory_space<vmem>>
      tpu.enqueue_dma source(%arg2 : memref<200x64xf32, #tpu.memory_space<hbm>>) target(%dma_start3A_460 : memref<200x64xf32, #tpu.memory_space<vmem>>) target_semaphore(%run_scoped3A_452 : memref<!tpu.dma_semaphore, #tpu.memory_space<semaphore_mem>>)
      %dma_wait3A_461 = arith.constant 0 : i32
      %dma_wait3A_462 = arith.constant 0 : i32
      %dma_wait3A_463 = tpu.memref_slice %arg4[%run_scoped3A, %dma_wait3A_461, %dma_wait3A_462] : memref<4x200x64xf32, #tpu.memory_space<vmem>> -> memref<1x200x64xf32, #tpu.memory_space<vmem>>
      %dma_wait3A_464 = tpu.memref_squeeze %dma_wait3A_463 : memref<1x200x64xf32, #tpu.memory_space<vmem>> -> memref<200x64xf32, #tpu.memory_space<vmem>>
      %dma_wait3A_465 = arith.constant 0 : i32
      %dma_wait3A_466 = arith.constant 0 : i32
      %dma_wait3A_467 = tpu.memref_slice %arg4[%run_scoped3A, %dma_wait3A_465, %dma_wait3A_466] : memref<4x200x64xf32, #tpu.memory_space<vmem>> -> memref<1x200x64xf32, #tpu.memory_space<vmem>>
      %dma_wait3A_468 = tpu.memref_squeeze %dma_wait3A_467 : memref<1x200x64xf32, #tpu.memory_space<vmem>> -> memref<200x64xf32, #tpu.memory_space<vmem>>
      tpu.wait_dma2 semaphore(%run_scoped3A_452 : memref<!tpu.dma_semaphore, #tpu.memory_space<semaphore_mem>>) src(%arg2 : memref<200x64xf32, #tpu.memory_space<hbm>>) dst(%dma_wait3A_468 : memref<200x64xf32, #tpu.memory_space<vmem>>)
      tpu.yield
    }) : () -> ()
    %run_scoped3A_0 = arith.constant 1 : i32
    "tpu.region"() ({
      %run_scoped3A_452 = tpu.sem_alloc : memref<!tpu.dma_semaphore, #tpu.memory_space<semaphore_mem>>
      %dma_start3A_453 = arith.constant 0 : i32
      %dma_start3A_454 = arith.constant 0 : i32
      %dma_start3A_455 = tpu.memref_slice %arg4[%run_scoped3A_0, %dma_start3A_453, %dma_start3A_454] : memref<4x200x64xf32, #tpu.memory_space<vmem>> -> memref<1x200x64xf32, #tpu.memory_space<vmem>>
      %dma_start3A_456 = tpu.memref_squeeze %dma_start3A_455 : memref<1x200x64xf32, #tpu.memory_space<vmem>> -> memref<200x64xf32, #tpu.memory_space<vmem>>
      %dma_start3A_457 = arith.constant 0 : i32
      %dma_start3A_458 = arith.constant 0 : i32
      %dma_start3A_459 = tpu.memref_slice %arg4[%run_scoped3A_0, %dma_start3A_457, %dma_start3A_458] : memref<4x200x64xf32, #tpu.memory_space<vmem>> -> memref<1x200x64xf32, #tpu.memory_space<vmem>>
      %dma_start3A_460 = tpu.memref_squeeze %dma_start3A_459 : memref<1x200x64xf32, #tpu.memory_space<vmem>> -> memref<200x64xf32, #tpu.memory_space<vmem>>
      tpu.enqueue_dma source(%arg2 : memref<200x64xf32, #tpu.memory_space<hbm>>) target(%dma_start3A_460 : memref<200x64xf32, #tpu.memory_space<vmem>>) target_semaphore(%run_scoped3A_452 : memref<!tpu.dma_semaphore, #tpu.memory_space<semaphore_mem>>)
      %dma_wait3A_461 = arith.constant 0 : i32
      %dma_wait3A_462 = arith.constant 0 : i32
      %dma_wait3A_463 = tpu.memref_slice %arg4[%run_scoped3A_0, %dma_wait3A_461, %dma_wait3A_462] : memref<4x200x64xf32, #tpu.memory_space<vmem>> -> memref<1x200x64xf32, #tpu.memory_space<vmem>>
      %dma_wait3A_464 = tpu.memref_squeeze %dma_wait3A_463 : memref<1x200x64xf32, #tpu.memory_space<vmem>> -> memref<200x64xf32, #tpu.memory_space<vmem>>
      %dma_wait3A_465 = arith.constant 0 : i32
      %dma_wait3A_466 = arith.constant 0 : i32
      %dma_wait3A_467 = tpu.memref_slice %arg4[%run_scoped3A_0, %dma_wait3A_465, %dma_wait3A_466] : memref<4x200x64xf32, #tpu.memory_space<vmem>> -> memref<1x200x64xf32, #tpu.memory_space<vmem>>
      %dma_wait3A_468 = tpu.memref_squeeze %dma_wait3A_467 : memref<1x200x64xf32, #tpu.memory_space<vmem>> -> memref<200x64xf32, #tpu.memory_space<vmem>>
      tpu.wait_dma2 semaphore(%run_scoped3A_452 : memref<!tpu.dma_semaphore, #tpu.memory_space<semaphore_mem>>) src(%arg2 : memref<200x64xf32, #tpu.memory_space<hbm>>) dst(%dma_wait3A_468 : memref<200x64xf32, #tpu.memory_space<vmem>>)
      tpu.yield
    }) : () -> ()
    %run_scoped3A_1 = arith.constant 2 : i32
    "tpu.region"() ({
      %run_scoped3A_452 = tpu.sem_alloc : memref<!tpu.dma_semaphore, #tpu.memory_space<semaphore_mem>>
      %dma_start3A_453 = arith.constant 0 : i32
      %dma_start3A_454 = arith.constant 0 : i32
      %dma_start3A_455 = tpu.memref_slice %arg4[%run_scoped3A_1, %dma_start3A_453, %dma_start3A_454] : memref<4x200x64xf32, #tpu.memory_space<vmem>> -> memref<1x200x64xf32, #tpu.memory_space<vmem>>
      %dma_start3A_456 = tpu.memref_squeeze %dma_start3A_455 : memref<1x200x64xf32, #tpu.memory_space<vmem>> -> memref<200x64xf32, #tpu.memory_space<vmem>>
      %dma_start3A_457 = arith.constant 0 : i32
      %dma_start3A_458 = arith.constant 0 : i32
      %dma_start3A_459 = tpu.memref_slice %arg4[%run_scoped3A_1, %dma_start3A_457, %dma_start3A_458] : memref<4x200x64xf32, #tpu.memory_space<vmem>> -> memref<1x200x64xf32, #tpu.memory_space<vmem>>
      %dma_start3A_460 = tpu.memref_squeeze %dma_start3A_459 : memref<1x200x64xf32, #tpu.memory_space<vmem>> -> memref<200x64xf32, #tpu.memory_space<vmem>>
      tpu.enqueue_dma source(%arg2 : memref<200x64xf32, #tpu.memory_space<hbm>>) target(%dma_start3A_460 : memref<200x64xf32, #tpu.memory_space<vmem>>) target_semaphore(%run_scoped3A_452 : memref<!tpu.dma_semaphore, #tpu.memory_space<semaphore_mem>>)
      %dma_wait3A_461 = arith.constant 0 : i32
      %dma_wait3A_462 = arith.constant 0 : i32
      %dma_wait3A_463 = tpu.memref_slice %arg4[%run_scoped3A_1, %dma_wait3A_461, %dma_wait3A_462] : memref<4x200x64xf32, #tpu.memory_space<vmem>> -> memref<1x200x64xf32, #tpu.memory_space<vmem>>
      %dma_wait3A_464 = tpu.memref_squeeze %dma_wait3A_463 : memref<1x200x64xf32, #tpu.memory_space<vmem>> -> memref<200x64xf32, #tpu.memory_space<vmem>>
      %dma_wait3A_465 = arith.constant 0 : i32
      %dma_wait3A_466 = arith.constant 0 : i32
      %dma_wait3A_467 = tpu.memref_slice %arg4[%run_scoped3A_1, %dma_wait3A_465, %dma_wait3A_466] : memref<4x200x64xf32, #tpu.memory_space<vmem>> -> memref<1x200x64xf32, #tpu.memory_space<vmem>>
      %dma_wait3A_468 = tpu.memref_squeeze %dma_wait3A_467 : memref<1x200x64xf32, #tpu.memory_space<vmem>> -> memref<200x64xf32, #tpu.memory_space<vmem>>
      tpu.wait_dma2 semaphore(%run_scoped3A_452 : memref<!tpu.dma_semaphore, #tpu.memory_space<semaphore_mem>>) src(%arg2 : memref<200x64xf32, #tpu.memory_space<hbm>>) dst(%dma_wait3A_468 : memref<200x64xf32, #tpu.memory_space<vmem>>)
      tpu.yield
    }) : () -> ()
    %run_scoped3A_2 = arith.constant 3 : i32
    "tpu.region"() ({
      %run_scoped3A_452 = tpu.sem_alloc : memref<!tpu.dma_semaphore, #tpu.memory_space<semaphore_mem>>
      %dma_start3A_453 = arith.constant 0 : i32
      %dma_start3A_454 = arith.constant 0 : i32
      %dma_start3A_455 = tpu.memref_slice %arg4[%run_scoped3A_2, %dma_start3A_453, %dma_start3A_454] : memref<4x200x64xf32, #tpu.memory_space<vmem>> -> memref<1x200x64xf32, #tpu.memory_space<vmem>>
      %dma_start3A_456 = tpu.memref_squeeze %dma_start3A_455 : memref<1x200x64xf32, #tpu.memory_space<vmem>> -> memref<200x64xf32, #tpu.memory_space<vmem>>
      %dma_start3A_457 = arith.constant 0 : i32
      %dma_start3A_458 = arith.constant 0 : i32
      %dma_start3A_459 = tpu.memref_slice %arg4[%run_scoped3A_2, %dma_start3A_457, %dma_start3A_458] : memref<4x200x64xf32, #tpu.memory_space<vmem>> -> memref<1x200x64xf32, #tpu.memory_space<vmem>>
      %dma_start3A_460 = tpu.memref_squeeze %dma_start3A_459 : memref<1x200x64xf32, #tpu.memory_space<vmem>> -> memref<200x64xf32, #tpu.memory_space<vmem>>
      tpu.enqueue_dma source(%arg2 : memref<200x64xf32, #tpu.memory_space<hbm>>) target(%dma_start3A_460 : memref<200x64xf32, #tpu.memory_space<vmem>>) target_semaphore(%run_scoped3A_452 : memref<!tpu.dma_semaphore, #tpu.memory_space<semaphore_mem>>)
      %dma_wait3A_461 = arith.constant 0 : i32
      %dma_wait3A_462 = arith.constant 0 : i32
      %dma_wait3A_463 = tpu.memref_slice %arg4[%run_scoped3A_2, %dma_wait3A_461, %dma_wait3A_462] : memref<4x200x64xf32, #tpu.memory_space<vmem>> -> memref<1x200x64xf32, #tpu.memory_space<vmem>>
      %dma_wait3A_464 = tpu.memref_squeeze %dma_wait3A_463 : memref<1x200x64xf32, #tpu.memory_space<vmem>> -> memref<200x64xf32, #tpu.memory_space<vmem>>
      %dma_wait3A_465 = arith.constant 0 : i32
      %dma_wait3A_466 = arith.constant 0 : i32
      %dma_wait3A_467 = tpu.memref_slice %arg4[%run_scoped3A_2, %dma_wait3A_465, %dma_wait3A_466] : memref<4x200x64xf32, #tpu.memory_space<vmem>> -> memref<1x200x64xf32, #tpu.memory_space<vmem>>
      %dma_wait3A_468 = tpu.memref_squeeze %dma_wait3A_467 : memref<1x200x64xf32, #tpu.memory_space<vmem>> -> memref<200x64xf32, #tpu.memory_space<vmem>>
      tpu.wait_dma2 semaphore(%run_scoped3A_452 : memref<!tpu.dma_semaphore, #tpu.memory_space<semaphore_mem>>) src(%arg2 : memref<200x64xf32, #tpu.memory_space<hbm>>) dst(%dma_wait3A_468 : memref<200x64xf32, #tpu.memory_space<vmem>>)
      tpu.yield
    }) : () -> ()
    %mul3A = arith.constant 2 : i32
    %mul3A_3 = arith.muli %arg1, %mul3A : i32
    %add3A = arith.addi %mul3A_3, %arg0 : i32
    %mul3A_4 = arith.constant 128 : i32
    %mul3A_5 = arith.muli %add3A, %mul3A_4 : i32
    %add3A_6 = arith.constant 0 : i32
    %add3A_7 = arith.addi %mul3A_5, %add3A_6 : i32
    %dma_start3A = arith.constant 0 : i32
    %dma_start3A_8 = arith.constant 0 : i32
    %dma_start3A_9 = tpu.memref_slice %arg3[%add3A_7, %dma_start3A, %dma_start3A_8] : memref<4096x200x64xf32, #tpu.memory_space<hbm>> -> memref<4x200x64xf32, #tpu.memory_space<hbm>>
    %dma_start3A_10 = arith.constant 0 : i32
    %dma_start3A_11 = arith.constant 0 : i32
    %dma_start3A_12 = tpu.memref_slice %arg3[%add3A_7, %dma_start3A_10, %dma_start3A_11] : memref<4096x200x64xf32, #tpu.memory_space<hbm>> -> memref<4x200x64xf32, #tpu.memory_space<hbm>>
    tpu.enqueue_dma source(%arg4 : memref<4x200x64xf32, #tpu.memory_space<vmem>>) target(%dma_start3A_12 : memref<4x200x64xf32, #tpu.memory_space<hbm>>) target_semaphore(%arg5 : memref<!tpu.dma_semaphore, #tpu.memory_space<semaphore_mem>>)
    %add3A_13 = arith.constant 4 : i32
    %add3A_14 = arith.addi %mul3A_5, %add3A_13 : i32
    %dma_start3A_15 = arith.constant 0 : i32
    %dma_start3A_16 = arith.constant 0 : i32
    %dma_start3A_17 = tpu.memref_slice %arg3[%add3A_14, %dma_start3A_15, %dma_start3A_16] : memref<4096x200x64xf32, #tpu.memory_space<hbm>> -> memref<4x200x64xf32, #tpu.memory_space<hbm>>
    %dma_start3A_18 = arith.constant 0 : i32
    %dma_start3A_19 = arith.constant 0 : i32
    %dma_start3A_20 = tpu.memref_slice %arg3[%add3A_14, %dma_start3A_18, %dma_start3A_19] : memref<4096x200x64xf32, #tpu.memory_space<hbm>> -> memref<4x200x64xf32, #tpu.memory_space<hbm>>
    tpu.enqueue_dma source(%arg4 : memref<4x200x64xf32, #tpu.memory_space<vmem>>) target(%dma_start3A_20 : memref<4x200x64xf32, #tpu.memory_space<hbm>>) target_semaphore(%arg5 : memref<!tpu.dma_semaphore, #tpu.memory_space<semaphore_mem>>)
    %add3A_21 = arith.constant 8 : i32
    %add3A_22 = arith.addi %mul3A_5, %add3A_21 : i32
    %dma_start3A_23 = arith.constant 0 : i32
    %dma_start3A_24 = arith.constant 0 : i32
    %dma_start3A_25 = tpu.memref_slice %arg3[%add3A_22, %dma_start3A_23, %dma_start3A_24] : memref<4096x200x64xf32, #tpu.memory_space<hbm>> -> memref<4x200x64xf32, #tpu.memory_space<hbm>>
    %dma_start3A_26 = arith.constant 0 : i32
    %dma_start3A_27 = arith.constant 0 : i32
    %dma_start3A_28 = tpu.memref_slice %arg3[%add3A_22, %dma_start3A_26, %dma_start3A_27] : memref<4096x200x64xf32, #tpu.memory_space<hbm>> -> memref<4x200x64xf32, #tpu.memory_space<hbm>>
    tpu.enqueue_dma source(%arg4 : memref<4x200x64xf32, #tpu.memory_space<vmem>>) target(%dma_start3A_28 : memref<4x200x64xf32, #tpu.memory_space<hbm>>) target_semaphore(%arg5 : memref<!tpu.dma_semaphore, #tpu.memory_space<semaphore_mem>>)
    %add3A_29 = arith.constant 12 : i32
    %add3A_30 = arith.addi %mul3A_5, %add3A_29 : i32
    %dma_start3A_31 = arith.constant 0 : i32
    %dma_start3A_32 = arith.constant 0 : i32
    %dma_start3A_33 = tpu.memref_slice %arg3[%add3A_30, %dma_start3A_31, %dma_start3A_32] : memref<4096x200x64xf32, #tpu.memory_space<hbm>> -> memref<4x200x64xf32, #tpu.memory_space<hbm>>
    %dma_start3A_34 = arith.constant 0 : i32
    %dma_start3A_35 = arith.constant 0 : i32
    %dma_start3A_36 = tpu.memref_slice %arg3[%add3A_30, %dma_start3A_34, %dma_start3A_35] : memref<4096x200x64xf32, #tpu.memory_space<hbm>> -> memref<4x200x64xf32, #tpu.memory_space<hbm>>
    tpu.enqueue_dma source(%arg4 : memref<4x200x64xf32, #tpu.memory_space<vmem>>) target(%dma_start3A_36 : memref<4x200x64xf32, #tpu.memory_space<hbm>>) target_semaphore(%arg5 : memref<!tpu.dma_semaphore, #tpu.memory_space<semaphore_mem>>)
    %add3A_37 = arith.constant 16 : i32
    %add3A_38 = arith.addi %mul3A_5, %add3A_37 : i32
    %dma_start3A_39 = arith.constant 0 : i32
    %dma_start3A_40 = arith.constant 0 : i32
    %dma_start3A_41 = tpu.memref_slice %arg3[%add3A_38, %dma_start3A_39, %dma_start3A_40] : memref<4096x200x64xf32, #tpu.memory_space<hbm>> -> memref<4x200x64xf32, #tpu.memory_space<hbm>>
    %dma_start3A_42 = arith.constant 0 : i32
    %dma_start3A_43 = arith.constant 0 : i32
    %dma_start3A_44 = tpu.memref_slice %arg3[%add3A_38, %dma_start3A_42, %dma_start3A_43] : memref<4096x200x64xf32, #tpu.memory_space<hbm>> -> memref<4x200x64xf32, #tpu.memory_space<hbm>>
    tpu.enqueue_dma source(%arg4 : memref<4x200x64xf32, #tpu.memory_space<vmem>>) target(%dma_start3A_44 : memref<4x200x64xf32, #tpu.memory_space<hbm>>) target_semaphore(%arg5 : memref<!tpu.dma_semaphore, #tpu.memory_space<semaphore_mem>>)
    %add3A_45 = arith.constant 20 : i32
    %add3A_46 = arith.addi %mul3A_5, %add3A_45 : i32
    %dma_start3A_47 = arith.constant 0 : i32
    %dma_start3A_48 = arith.constant 0 : i32
    %dma_start3A_49 = tpu.memref_slice %arg3[%add3A_46, %dma_start3A_47, %dma_start3A_48] : memref<4096x200x64xf32, #tpu.memory_space<hbm>> -> memref<4x200x64xf32, #tpu.memory_space<hbm>>
    %dma_start3A_50 = arith.constant 0 : i32
    %dma_start3A_51 = arith.constant 0 : i32
    %dma_start3A_52 = tpu.memref_slice %arg3[%add3A_46, %dma_start3A_50, %dma_start3A_51] : memref<4096x200x64xf32, #tpu.memory_space<hbm>> -> memref<4x200x64xf32, #tpu.memory_space<hbm>>
    tpu.enqueue_dma source(%arg4 : memref<4x200x64xf32, #tpu.memory_space<vmem>>) target(%dma_start3A_52 : memref<4x200x64xf32, #tpu.memory_space<hbm>>) target_semaphore(%arg5 : memref<!tpu.dma_semaphore, #tpu.memory_space<semaphore_mem>>)
    %add3A_53 = arith.constant 24 : i32
    %add3A_54 = arith.addi %mul3A_5, %add3A_53 : i32
    %dma_start3A_55 = arith.constant 0 : i32
    %dma_start3A_56 = arith.constant 0 : i32
    %dma_start3A_57 = tpu.memref_slice %arg3[%add3A_54, %dma_start3A_55, %dma_start3A_56] : memref<4096x200x64xf32, #tpu.memory_space<hbm>> -> memref<4x200x64xf32, #tpu.memory_space<hbm>>
    %dma_start3A_58 = arith.constant 0 : i32
    %dma_start3A_59 = arith.constant 0 : i32
    %dma_start3A_60 = tpu.memref_slice %arg3[%add3A_54, %dma_start3A_58, %dma_start3A_59] : memref<4096x200x64xf32, #tpu.memory_space<hbm>> -> memref<4x200x64xf32, #tpu.memory_space<hbm>>
    tpu.enqueue_dma source(%arg4 : memref<4x200x64xf32, #tpu.memory_space<vmem>>) target(%dma_start3A_60 : memref<4x200x64xf32, #tpu.memory_space<hbm>>) target_semaphore(%arg5 : memref<!tpu.dma_semaphore, #tpu.memory_space<semaphore_mem>>)
    %add3A_61 = arith.constant 28 : i32
    %add3A_62 = arith.addi %mul3A_5, %add3A_61 : i32
    %dma_start3A_63 = arith.constant 0 : i32
    %dma_start3A_64 = arith.constant 0 : i32
    %dma_start3A_65 = tpu.memref_slice %arg3[%add3A_62, %dma_start3A_63, %dma_start3A_64] : memref<4096x200x64xf32, #tpu.memory_space<hbm>> -> memref<4x200x64xf32, #tpu.memory_space<hbm>>
    %dma_start3A_66 = arith.constant 0 : i32
    %dma_start3A_67 = arith.constant 0 : i32
    %dma_start3A_68 = tpu.memref_slice %arg3[%add3A_62, %dma_start3A_66, %dma_start3A_67] : memref<4096x200x64xf32, #tpu.memory_space<hbm>> -> memref<4x200x64xf32, #tpu.memory_space<hbm>>
    tpu.enqueue_dma source(%arg4 : memref<4x200x64xf32, #tpu.memory_space<vmem>>) target(%dma_start3A_68 : memref<4x200x64xf32, #tpu.memory_space<hbm>>) target_semaphore(%arg5 : memref<!tpu.dma_semaphore, #tpu.memory_space<semaphore_mem>>)
    %add3A_69 = arith.constant 32 : i32
    %add3A_70 = arith.addi %mul3A_5, %add3A_69 : i32
    %dma_start3A_71 = arith.constant 0 : i32
    %dma_start3A_72 = arith.constant 0 : i32
    %dma_start3A_73 = tpu.memref_slice %arg3[%add3A_70, %dma_start3A_71, %dma_start3A_72] : memref<4096x200x64xf32, #tpu.memory_space<hbm>> -> memref<4x200x64xf32, #tpu.memory_space<hbm>>
    %dma_start3A_74 = arith.constant 0 : i32
    %dma_start3A_75 = arith.constant 0 : i32
    %dma_start3A_76 = tpu.memref_slice %arg3[%add3A_70, %dma_start3A_74, %dma_start3A_75] : memref<4096x200x64xf32, #tpu.memory_space<hbm>> -> memref<4x200x64xf32, #tpu.memory_space<hbm>>
    tpu.enqueue_dma source(%arg4 : memref<4x200x64xf32, #tpu.memory_space<vmem>>) target(%dma_start3A_76 : memref<4x200x64xf32, #tpu.memory_space<hbm>>) target_semaphore(%arg5 : memref<!tpu.dma_semaphore, #tpu.memory_space<semaphore_mem>>)
    %add3A_77 = arith.constant 36 : i32
    %add3A_78 = arith.addi %mul3A_5, %add3A_77 : i32
    %dma_start3A_79 = arith.constant 0 : i32
    %dma_start3A_80 = arith.constant 0 : i32
    %dma_start3A_81 = tpu.memref_slice %arg3[%add3A_78, %dma_start3A_79, %dma_start3A_80] : memref<4096x200x64xf32, #tpu.memory_space<hbm>> -> memref<4x200x64xf32, #tpu.memory_space<hbm>>
    %dma_start3A_82 = arith.constant 0 : i32
    %dma_start3A_83 = arith.constant 0 : i32
    %dma_start3A_84 = tpu.memref_slice %arg3[%add3A_78, %dma_start3A_82, %dma_start3A_83] : memref<4096x200x64xf32, #tpu.memory_space<hbm>> -> memref<4x200x64xf32, #tpu.memory_space<hbm>>
    tpu.enqueue_dma source(%arg4 : memref<4x200x64xf32, #tpu.memory_space<vmem>>) target(%dma_start3A_84 : memref<4x200x64xf32, #tpu.memory_space<hbm>>) target_semaphore(%arg5 : memref<!tpu.dma_semaphore, #tpu.memory_space<semaphore_mem>>)
    %add3A_85 = arith.constant 40 : i32
    %add3A_86 = arith.addi %mul3A_5, %add3A_85 : i32
    %dma_start3A_87 = arith.constant 0 : i32
    %dma_start3A_88 = arith.constant 0 : i32
    %dma_start3A_89 = tpu.memref_slice %arg3[%add3A_86, %dma_start3A_87, %dma_start3A_88] : memref<4096x200x64xf32, #tpu.memory_space<hbm>> -> memref<4x200x64xf32, #tpu.memory_space<hbm>>
    %dma_start3A_90 = arith.constant 0 : i32
    %dma_start3A_91 = arith.constant 0 : i32
    %dma_start3A_92 = tpu.memref_slice %arg3[%add3A_86, %dma_start3A_90, %dma_start3A_91] : memref<4096x200x64xf32, #tpu.memory_space<hbm>> -> memref<4x200x64xf32, #tpu.memory_space<hbm>>
    tpu.enqueue_dma source(%arg4 : memref<4x200x64xf32, #tpu.memory_space<vmem>>) target(%dma_start3A_92 : memref<4x200x64xf32, #tpu.memory_space<hbm>>) target_semaphore(%arg5 : memref<!tpu.dma_semaphore, #tpu.memory_space<semaphore_mem>>)
    %add3A_93 = arith.constant 44 : i32
    %add3A_94 = arith.addi %mul3A_5, %add3A_93 : i32
    %dma_start3A_95 = arith.constant 0 : i32
    %dma_start3A_96 = arith.constant 0 : i32
    %dma_start3A_97 = tpu.memref_slice %arg3[%add3A_94, %dma_start3A_95, %dma_start3A_96] : memref<4096x200x64xf32, #tpu.memory_space<hbm>> -> memref<4x200x64xf32, #tpu.memory_space<hbm>>
    %dma_start3A_98 = arith.constant 0 : i32
    %dma_start3A_99 = arith.constant 0 : i32
    %dma_start3A_100 = tpu.memref_slice %arg3[%add3A_94, %dma_start3A_98, %dma_start3A_99] : memref<4096x200x64xf32, #tpu.memory_space<hbm>> -> memref<4x200x64xf32, #tpu.memory_space<hbm>>
    tpu.enqueue_dma source(%arg4 : memref<4x200x64xf32, #tpu.memory_space<vmem>>) target(%dma_start3A_100 : memref<4x200x64xf32, #tpu.memory_space<hbm>>) target_semaphore(%arg5 : memref<!tpu.dma_semaphore, #tpu.memory_space<semaphore_mem>>)
    %add3A_101 = arith.constant 48 : i32
    %add3A_102 = arith.addi %mul3A_5, %add3A_101 : i32
    %dma_start3A_103 = arith.constant 0 : i32
    %dma_start3A_104 = arith.constant 0 : i32
    %dma_start3A_105 = tpu.memref_slice %arg3[%add3A_102, %dma_start3A_103, %dma_start3A_104] : memref<4096x200x64xf32, #tpu.memory_space<hbm>> -> memref<4x200x64xf32, #tpu.memory_space<hbm>>
    %dma_start3A_106 = arith.constant 0 : i32
    %dma_start3A_107 = arith.constant 0 : i32
    %dma_start3A_108 = tpu.memref_slice %arg3[%add3A_102, %dma_start3A_106, %dma_start3A_107] : memref<4096x200x64xf32, #tpu.memory_space<hbm>> -> memref<4x200x64xf32, #tpu.memory_space<hbm>>
    tpu.enqueue_dma source(%arg4 : memref<4x200x64xf32, #tpu.memory_space<vmem>>) target(%dma_start3A_108 : memref<4x200x64xf32, #tpu.memory_space<hbm>>) target_semaphore(%arg5 : memref<!tpu.dma_semaphore, #tpu.memory_space<semaphore_mem>>)
    %add3A_109 = arith.constant 52 : i32
    %add3A_110 = arith.addi %mul3A_5, %add3A_109 : i32
    %dma_start3A_111 = arith.constant 0 : i32
    %dma_start3A_112 = arith.constant 0 : i32
    %dma_start3A_113 = tpu.memref_slice %arg3[%add3A_110, %dma_start3A_111, %dma_start3A_112] : memref<4096x200x64xf32, #tpu.memory_space<hbm>> -> memref<4x200x64xf32, #tpu.memory_space<hbm>>
    %dma_start3A_114 = arith.constant 0 : i32
    %dma_start3A_115 = arith.constant 0 : i32
    %dma_start3A_116 = tpu.memref_slice %arg3[%add3A_110, %dma_start3A_114, %dma_start3A_115] : memref<4096x200x64xf32, #tpu.memory_space<hbm>> -> memref<4x200x64xf32, #tpu.memory_space<hbm>>
    tpu.enqueue_dma source(%arg4 : memref<4x200x64xf32, #tpu.memory_space<vmem>>) target(%dma_start3A_116 : memref<4x200x64xf32, #tpu.memory_space<hbm>>) target_semaphore(%arg5 : memref<!tpu.dma_semaphore, #tpu.memory_space<semaphore_mem>>)
    %add3A_117 = arith.constant 56 : i32
    %add3A_118 = arith.addi %mul3A_5, %add3A_117 : i32
    %dma_start3A_119 = arith.constant 0 : i32
    %dma_start3A_120 = arith.constant 0 : i32
    %dma_start3A_121 = tpu.memref_slice %arg3[%add3A_118, %dma_start3A_119, %dma_start3A_120] : memref<4096x200x64xf32, #tpu.memory_space<hbm>> -> memref<4x200x64xf32, #tpu.memory_space<hbm>>
    %dma_start3A_122 = arith.constant 0 : i32
    %dma_start3A_123 = arith.constant 0 : i32
    %dma_start3A_124 = tpu.memref_slice %arg3[%add3A_118, %dma_start3A_122, %dma_start3A_123] : memref<4096x200x64xf32, #tpu.memory_space<hbm>> -> memref<4x200x64xf32, #tpu.memory_space<hbm>>
    tpu.enqueue_dma source(%arg4 : memref<4x200x64xf32, #tpu.memory_space<vmem>>) target(%dma_start3A_124 : memref<4x200x64xf32, #tpu.memory_space<hbm>>) target_semaphore(%arg5 : memref<!tpu.dma_semaphore, #tpu.memory_space<semaphore_mem>>)
    %add3A_125 = arith.constant 60 : i32
    %add3A_126 = arith.addi %mul3A_5, %add3A_125 : i32
    %dma_start3A_127 = arith.constant 0 : i32
    %dma_start3A_128 = arith.constant 0 : i32
    %dma_start3A_129 = tpu.memref_slice %arg3[%add3A_126, %dma_start3A_127, %dma_start3A_128] : memref<4096x200x64xf32, #tpu.memory_space<hbm>> -> memref<4x200x64xf32, #tpu.memory_space<hbm>>
    %dma_start3A_130 = arith.constant 0 : i32
    %dma_start3A_131 = arith.constant 0 : i32
    %dma_start3A_132 = tpu.memref_slice %arg3[%add3A_126, %dma_start3A_130, %dma_start3A_131] : memref<4096x200x64xf32, #tpu.memory_space<hbm>> -> memref<4x200x64xf32, #tpu.memory_space<hbm>>
    tpu.enqueue_dma source(%arg4 : memref<4x200x64xf32, #tpu.memory_space<vmem>>) target(%dma_start3A_132 : memref<4x200x64xf32, #tpu.memory_space<hbm>>) target_semaphore(%arg5 : memref<!tpu.dma_semaphore, #tpu.memory_space<semaphore_mem>>)
    %add3A_133 = arith.constant 64 : i32
    %add3A_134 = arith.addi %mul3A_5, %add3A_133 : i32
    %dma_start3A_135 = arith.constant 0 : i32
    %dma_start3A_136 = arith.constant 0 : i32
    %dma_start3A_137 = tpu.memref_slice %arg3[%add3A_134, %dma_start3A_135, %dma_start3A_136] : memref<4096x200x64xf32, #tpu.memory_space<hbm>> -> memref<4x200x64xf32, #tpu.memory_space<hbm>>
    %dma_start3A_138 = arith.constant 0 : i32
    %dma_start3A_139 = arith.constant 0 : i32
    %dma_start3A_140 = tpu.memref_slice %arg3[%add3A_134, %dma_start3A_138, %dma_start3A_139] : memref<4096x200x64xf32, #tpu.memory_space<hbm>> -> memref<4x200x64xf32, #tpu.memory_space<hbm>>
    tpu.enqueue_dma source(%arg4 : memref<4x200x64xf32, #tpu.memory_space<vmem>>) target(%dma_start3A_140 : memref<4x200x64xf32, #tpu.memory_space<hbm>>) target_semaphore(%arg5 : memref<!tpu.dma_semaphore, #tpu.memory_space<semaphore_mem>>)
    %add3A_141 = arith.constant 68 : i32
    %add3A_142 = arith.addi %mul3A_5, %add3A_141 : i32
    %dma_start3A_143 = arith.constant 0 : i32
    %dma_start3A_144 = arith.constant 0 : i32
    %dma_start3A_145 = tpu.memref_slice %arg3[%add3A_142, %dma_start3A_143, %dma_start3A_144] : memref<4096x200x64xf32, #tpu.memory_space<hbm>> -> memref<4x200x64xf32, #tpu.memory_space<hbm>>
    %dma_start3A_146 = arith.constant 0 : i32
    %dma_start3A_147 = arith.constant 0 : i32
    %dma_start3A_148 = tpu.memref_slice %arg3[%add3A_142, %dma_start3A_146, %dma_start3A_147] : memref<4096x200x64xf32, #tpu.memory_space<hbm>> -> memref<4x200x64xf32, #tpu.memory_space<hbm>>
    tpu.enqueue_dma source(%arg4 : memref<4x200x64xf32, #tpu.memory_space<vmem>>) target(%dma_start3A_148 : memref<4x200x64xf32, #tpu.memory_space<hbm>>) target_semaphore(%arg5 : memref<!tpu.dma_semaphore, #tpu.memory_space<semaphore_mem>>)
    %add3A_149 = arith.constant 72 : i32
    %add3A_150 = arith.addi %mul3A_5, %add3A_149 : i32
    %dma_start3A_151 = arith.constant 0 : i32
    %dma_start3A_152 = arith.constant 0 : i32
    %dma_start3A_153 = tpu.memref_slice %arg3[%add3A_150, %dma_start3A_151, %dma_start3A_152] : memref<4096x200x64xf32, #tpu.memory_space<hbm>> -> memref<4x200x64xf32, #tpu.memory_space<hbm>>
    %dma_start3A_154 = arith.constant 0 : i32
    %dma_start3A_155 = arith.constant 0 : i32
    %dma_start3A_156 = tpu.memref_slice %arg3[%add3A_150, %dma_start3A_154, %dma_start3A_155] : memref<4096x200x64xf32, #tpu.memory_space<hbm>> -> memref<4x200x64xf32, #tpu.memory_space<hbm>>
    tpu.enqueue_dma source(%arg4 : memref<4x200x64xf32, #tpu.memory_space<vmem>>) target(%dma_start3A_156 : memref<4x200x64xf32, #tpu.memory_space<hbm>>) target_semaphore(%arg5 : memref<!tpu.dma_semaphore, #tpu.memory_space<semaphore_mem>>)
    %add3A_157 = arith.constant 76 : i32
    %add3A_158 = arith.addi %mul3A_5, %add3A_157 : i32
    %dma_start3A_159 = arith.constant 0 : i32
    %dma_start3A_160 = arith.constant 0 : i32
    %dma_start3A_161 = tpu.memref_slice %arg3[%add3A_158, %dma_start3A_159, %dma_start3A_160] : memref<4096x200x64xf32, #tpu.memory_space<hbm>> -> memref<4x200x64xf32, #tpu.memory_space<hbm>>
    %dma_start3A_162 = arith.constant 0 : i32
    %dma_start3A_163 = arith.constant 0 : i32
    %dma_start3A_164 = tpu.memref_slice %arg3[%add3A_158, %dma_start3A_162, %dma_start3A_163] : memref<4096x200x64xf32, #tpu.memory_space<hbm>> -> memref<4x200x64xf32, #tpu.memory_space<hbm>>
    tpu.enqueue_dma source(%arg4 : memref<4x200x64xf32, #tpu.memory_space<vmem>>) target(%dma_start3A_164 : memref<4x200x64xf32, #tpu.memory_space<hbm>>) target_semaphore(%arg5 : memref<!tpu.dma_semaphore, #tpu.memory_space<semaphore_mem>>)
    %add3A_165 = arith.constant 80 : i32
    %add3A_166 = arith.addi %mul3A_5, %add3A_165 : i32
    %dma_start3A_167 = arith.constant 0 : i32
    %dma_start3A_168 = arith.constant 0 : i32
    %dma_start3A_169 = tpu.memref_slice %arg3[%add3A_166, %dma_start3A_167, %dma_start3A_168] : memref<4096x200x64xf32, #tpu.memory_space<hbm>> -> memref<4x200x64xf32, #tpu.memory_space<hbm>>
    %dma_start3A_170 = arith.constant 0 : i32
    %dma_start3A_171 = arith.constant 0 : i32
    %dma_start3A_172 = tpu.memref_slice %arg3[%add3A_166, %dma_start3A_170, %dma_start3A_171] : memref<4096x200x64xf32, #tpu.memory_space<hbm>> -> memref<4x200x64xf32, #tpu.memory_space<hbm>>
    tpu.enqueue_dma source(%arg4 : memref<4x200x64xf32, #tpu.memory_space<vmem>>) target(%dma_start3A_172 : memref<4x200x64xf32, #tpu.memory_space<hbm>>) target_semaphore(%arg5 : memref<!tpu.dma_semaphore, #tpu.memory_space<semaphore_mem>>)
    %add3A_173 = arith.constant 84 : i32
    %add3A_174 = arith.addi %mul3A_5, %add3A_173 : i32
    %dma_start3A_175 = arith.constant 0 : i32
    %dma_start3A_176 = arith.constant 0 : i32
    %dma_start3A_177 = tpu.memref_slice %arg3[%add3A_174, %dma_start3A_175, %dma_start3A_176] : memref<4096x200x64xf32, #tpu.memory_space<hbm>> -> memref<4x200x64xf32, #tpu.memory_space<hbm>>
    %dma_start3A_178 = arith.constant 0 : i32
    %dma_start3A_179 = arith.constant 0 : i32
    %dma_start3A_180 = tpu.memref_slice %arg3[%add3A_174, %dma_start3A_178, %dma_start3A_179] : memref<4096x200x64xf32, #tpu.memory_space<hbm>> -> memref<4x200x64xf32, #tpu.memory_space<hbm>>
    tpu.enqueue_dma source(%arg4 : memref<4x200x64xf32, #tpu.memory_space<vmem>>) target(%dma_start3A_180 : memref<4x200x64xf32, #tpu.memory_space<hbm>>) target_semaphore(%arg5 : memref<!tpu.dma_semaphore, #tpu.memory_space<semaphore_mem>>)
    %add3A_181 = arith.constant 88 : i32
    %add3A_182 = arith.addi %mul3A_5, %add3A_181 : i32
    %dma_start3A_183 = arith.constant 0 : i32
    %dma_start3A_184 = arith.constant 0 : i32
    %dma_start3A_185 = tpu.memref_slice %arg3[%add3A_182, %dma_start3A_183, %dma_start3A_184] : memref<4096x200x64xf32, #tpu.memory_space<hbm>> -> memref<4x200x64xf32, #tpu.memory_space<hbm>>
    %dma_start3A_186 = arith.constant 0 : i32
    %dma_start3A_187 = arith.constant 0 : i32
    %dma_start3A_188 = tpu.memref_slice %arg3[%add3A_182, %dma_start3A_186, %dma_start3A_187] : memref<4096x200x64xf32, #tpu.memory_space<hbm>> -> memref<4x200x64xf32, #tpu.memory_space<hbm>>
    tpu.enqueue_dma source(%arg4 : memref<4x200x64xf32, #tpu.memory_space<vmem>>) target(%dma_start3A_188 : memref<4x200x64xf32, #tpu.memory_space<hbm>>) target_semaphore(%arg5 : memref<!tpu.dma_semaphore, #tpu.memory_space<semaphore_mem>>)
    %add3A_189 = arith.constant 92 : i32
    %add3A_190 = arith.addi %mul3A_5, %add3A_189 : i32
    %dma_start3A_191 = arith.constant 0 : i32
    %dma_start3A_192 = arith.constant 0 : i32
    %dma_start3A_193 = tpu.memref_slice %arg3[%add3A_190, %dma_start3A_191, %dma_start3A_192] : memref<4096x200x64xf32, #tpu.memory_space<hbm>> -> memref<4x200x64xf32, #tpu.memory_space<hbm>>
    %dma_start3A_194 = arith.constant 0 : i32
    %dma_start3A_195 = arith.constant 0 : i32
    %dma_start3A_196 = tpu.memref_slice %arg3[%add3A_190, %dma_start3A_194, %dma_start3A_195] : memref<4096x200x64xf32, #tpu.memory_space<hbm>> -> memref<4x200x64xf32, #tpu.memory_space<hbm>>
    tpu.enqueue_dma source(%arg4 : memref<4x200x64xf32, #tpu.memory_space<vmem>>) target(%dma_start3A_196 : memref<4x200x64xf32, #tpu.memory_space<hbm>>) target_semaphore(%arg5 : memref<!tpu.dma_semaphore, #tpu.memory_space<semaphore_mem>>)
    %add3A_197 = arith.constant 96 : i32
    %add3A_198 = arith.addi %mul3A_5, %add3A_197 : i32
    %dma_start3A_199 = arith.constant 0 : i32
    %dma_start3A_200 = arith.constant 0 : i32
    %dma_start3A_201 = tpu.memref_slice %arg3[%add3A_198, %dma_start3A_199, %dma_start3A_200] : memref<4096x200x64xf32, #tpu.memory_space<hbm>> -> memref<4x200x64xf32, #tpu.memory_space<hbm>>
    %dma_start3A_202 = arith.constant 0 : i32
    %dma_start3A_203 = arith.constant 0 : i32
    %dma_start3A_204 = tpu.memref_slice %arg3[%add3A_198, %dma_start3A_202, %dma_start3A_203] : memref<4096x200x64xf32, #tpu.memory_space<hbm>> -> memref<4x200x64xf32, #tpu.memory_space<hbm>>
    tpu.enqueue_dma source(%arg4 : memref<4x200x64xf32, #tpu.memory_space<vmem>>) target(%dma_start3A_204 : memref<4x200x64xf32, #tpu.memory_space<hbm>>) target_semaphore(%arg5 : memref<!tpu.dma_semaphore, #tpu.memory_space<semaphore_mem>>)
    %add3A_205 = arith.constant 100 : i32
    %add3A_206 = arith.addi %mul3A_5, %add3A_205 : i32
    %dma_start3A_207 = arith.constant 0 : i32
    %dma_start3A_208 = arith.constant 0 : i32
    %dma_start3A_209 = tpu.memref_slice %arg3[%add3A_206, %dma_start3A_207, %dma_start3A_208] : memref<4096x200x64xf32, #tpu.memory_space<hbm>> -> memref<4x200x64xf32, #tpu.memory_space<hbm>>
    %dma_start3A_210 = arith.constant 0 : i32
    %dma_start3A_211 = arith.constant 0 : i32
    %dma_start3A_212 = tpu.memref_slice %arg3[%add3A_206, %dma_start3A_210, %dma_start3A_211] : memref<4096x200x64xf32, #tpu.memory_space<hbm>> -> memref<4x200x64xf32, #tpu.memory_space<hbm>>
    tpu.enqueue_dma source(%arg4 : memref<4x200x64xf32, #tpu.memory_space<vmem>>) target(%dma_start3A_212 : memref<4x200x64xf32, #tpu.memory_space<hbm>>) target_semaphore(%arg5 : memref<!tpu.dma_semaphore, #tpu.memory_space<semaphore_mem>>)
    %add3A_213 = arith.constant 104 : i32
    %add3A_214 = arith.addi %mul3A_5, %add3A_213 : i32
    %dma_start3A_215 = arith.constant 0 : i32
    %dma_start3A_216 = arith.constant 0 : i32
    %dma_start3A_217 = tpu.memref_slice %arg3[%add3A_214, %dma_start3A_215, %dma_start3A_216] : memref<4096x200x64xf32, #tpu.memory_space<hbm>> -> memref<4x200x64xf32, #tpu.memory_space<hbm>>
    %dma_start3A_218 = arith.constant 0 : i32
    %dma_start3A_219 = arith.constant 0 : i32
    %dma_start3A_220 = tpu.memref_slice %arg3[%add3A_214, %dma_start3A_218, %dma_start3A_219] : memref<4096x200x64xf32, #tpu.memory_space<hbm>> -> memref<4x200x64xf32, #tpu.memory_space<hbm>>
    tpu.enqueue_dma source(%arg4 : memref<4x200x64xf32, #tpu.memory_space<vmem>>) target(%dma_start3A_220 : memref<4x200x64xf32, #tpu.memory_space<hbm>>) target_semaphore(%arg5 : memref<!tpu.dma_semaphore, #tpu.memory_space<semaphore_mem>>)
    %add3A_221 = arith.constant 108 : i32
    %add3A_222 = arith.addi %mul3A_5, %add3A_221 : i32
    %dma_start3A_223 = arith.constant 0 : i32
    %dma_start3A_224 = arith.constant 0 : i32
    %dma_start3A_225 = tpu.memref_slice %arg3[%add3A_222, %dma_start3A_223, %dma_start3A_224] : memref<4096x200x64xf32, #tpu.memory_space<hbm>> -> memref<4x200x64xf32, #tpu.memory_space<hbm>>
    %dma_start3A_226 = arith.constant 0 : i32
    %dma_start3A_227 = arith.constant 0 : i32
    %dma_start3A_228 = tpu.memref_slice %arg3[%add3A_222, %dma_start3A_226, %dma_start3A_227] : memref<4096x200x64xf32, #tpu.memory_space<hbm>> -> memref<4x200x64xf32, #tpu.memory_space<hbm>>
    tpu.enqueue_dma source(%arg4 : memref<4x200x64xf32, #tpu.memory_space<vmem>>) target(%dma_start3A_228 : memref<4x200x64xf32, #tpu.memory_space<hbm>>) target_semaphore(%arg5 : memref<!tpu.dma_semaphore, #tpu.memory_space<semaphore_mem>>)
    %add3A_229 = arith.constant 112 : i32
    %add3A_230 = arith.addi %mul3A_5, %add3A_229 : i32
    %dma_start3A_231 = arith.constant 0 : i32
    %dma_start3A_232 = arith.constant 0 : i32
    %dma_start3A_233 = tpu.memref_slice %arg3[%add3A_230, %dma_start3A_231, %dma_start3A_232] : memref<4096x200x64xf32, #tpu.memory_space<hbm>> -> memref<4x200x64xf32, #tpu.memory_space<hbm>>
    %dma_start3A_234 = arith.constant 0 : i32
    %dma_start3A_235 = arith.constant 0 : i32
    %dma_start3A_236 = tpu.memref_slice %arg3[%add3A_230, %dma_start3A_234, %dma_start3A_235] : memref<4096x200x64xf32, #tpu.memory_space<hbm>> -> memref<4x200x64xf32, #tpu.memory_space<hbm>>
    tpu.enqueue_dma source(%arg4 : memref<4x200x64xf32, #tpu.memory_space<vmem>>) target(%dma_start3A_236 : memref<4x200x64xf32, #tpu.memory_space<hbm>>) target_semaphore(%arg5 : memref<!tpu.dma_semaphore, #tpu.memory_space<semaphore_mem>>)
    %add3A_237 = arith.constant 116 : i32
    %add3A_238 = arith.addi %mul3A_5, %add3A_237 : i32
    %dma_start3A_239 = arith.constant 0 : i32
    %dma_start3A_240 = arith.constant 0 : i32
    %dma_start3A_241 = tpu.memref_slice %arg3[%add3A_238, %dma_start3A_239, %dma_start3A_240] : memref<4096x200x64xf32, #tpu.memory_space<hbm>> -> memref<4x200x64xf32, #tpu.memory_space<hbm>>
    %dma_start3A_242 = arith.constant 0 : i32
    %dma_start3A_243 = arith.constant 0 : i32
    %dma_start3A_244 = tpu.memref_slice %arg3[%add3A_238, %dma_start3A_242, %dma_start3A_243] : memref<4096x200x64xf32, #tpu.memory_space<hbm>> -> memref<4x200x64xf32, #tpu.memory_space<hbm>>
    tpu.enqueue_dma source(%arg4 : memref<4x200x64xf32, #tpu.memory_space<vmem>>) target(%dma_start3A_244 : memref<4x200x64xf32, #tpu.memory_space<hbm>>) target_semaphore(%arg5 : memref<!tpu.dma_semaphore, #tpu.memory_space<semaphore_mem>>)
    %add3A_245 = arith.constant 120 : i32
    %add3A_246 = arith.addi %mul3A_5, %add3A_245 : i32
    %dma_start3A_247 = arith.constant 0 : i32
    %dma_start3A_248 = arith.constant 0 : i32
    %dma_start3A_249 = tpu.memref_slice %arg3[%add3A_246, %dma_start3A_247, %dma_start3A_248] : memref<4096x200x64xf32, #tpu.memory_space<hbm>> -> memref<4x200x64xf32, #tpu.memory_space<hbm>>
    %dma_start3A_250 = arith.constant 0 : i32
    %dma_start3A_251 = arith.constant 0 : i32
    %dma_start3A_252 = tpu.memref_slice %arg3[%add3A_246, %dma_start3A_250, %dma_start3A_251] : memref<4096x200x64xf32, #tpu.memory_space<hbm>> -> memref<4x200x64xf32, #tpu.memory_space<hbm>>
    tpu.enqueue_dma source(%arg4 : memref<4x200x64xf32, #tpu.memory_space<vmem>>) target(%dma_start3A_252 : memref<4x200x64xf32, #tpu.memory_space<hbm>>) target_semaphore(%arg5 : memref<!tpu.dma_semaphore, #tpu.memory_space<semaphore_mem>>)
    %add3A_253 = arith.constant 124 : i32
    %add3A_254 = arith.addi %mul3A_5, %add3A_253 : i32
    %dma_start3A_255 = arith.constant 0 : i32
    %dma_start3A_256 = arith.constant 0 : i32
    %dma_start3A_257 = tpu.memref_slice %arg3[%add3A_254, %dma_start3A_255, %dma_start3A_256] : memref<4096x200x64xf32, #tpu.memory_space<hbm>> -> memref<4x200x64xf32, #tpu.memory_space<hbm>>
    %dma_start3A_258 = arith.constant 0 : i32
    %dma_start3A_259 = arith.constant 0 : i32
    %dma_start3A_260 = tpu.memref_slice %arg3[%add3A_254, %dma_start3A_258, %dma_start3A_259] : memref<4096x200x64xf32, #tpu.memory_space<hbm>> -> memref<4x200x64xf32, #tpu.memory_space<hbm>>
    tpu.enqueue_dma source(%arg4 : memref<4x200x64xf32, #tpu.memory_space<vmem>>) target(%dma_start3A_260 : memref<4x200x64xf32, #tpu.memory_space<hbm>>) target_semaphore(%arg5 : memref<!tpu.dma_semaphore, #tpu.memory_space<semaphore_mem>>)
    %dma_wait3A = arith.constant 0 : i32
    %dma_wait3A_261 = arith.constant 0 : i32
    %dma_wait3A_262 = tpu.memref_slice %arg3[%add3A_7, %dma_wait3A, %dma_wait3A_261] : memref<4096x200x64xf32, #tpu.memory_space<hbm>> -> memref<4x200x64xf32, #tpu.memory_space<hbm>>
    %dma_wait3A_263 = arith.constant 0 : i32
    %dma_wait3A_264 = arith.constant 0 : i32
    %dma_wait3A_265 = tpu.memref_slice %arg3[%add3A_7, %dma_wait3A_263, %dma_wait3A_264] : memref<4096x200x64xf32, #tpu.memory_space<hbm>> -> memref<4x200x64xf32, #tpu.memory_space<hbm>>
    tpu.wait_dma2 semaphore(%arg5 : memref<!tpu.dma_semaphore, #tpu.memory_space<semaphore_mem>>) src(%arg4 : memref<4x200x64xf32, #tpu.memory_space<vmem>>) dst(%dma_wait3A_265 : memref<4x200x64xf32, #tpu.memory_space<hbm>>)
    %dma_wait3A_266 = arith.constant 0 : i32
    %dma_wait3A_267 = arith.constant 0 : i32
    %dma_wait3A_268 = tpu.memref_slice %arg3[%add3A_14, %dma_wait3A_266, %dma_wait3A_267] : memref<4096x200x64xf32, #tpu.memory_space<hbm>> -> memref<4x200x64xf32, #tpu.memory_space<hbm>>
    %dma_wait3A_269 = arith.constant 0 : i32
    %dma_wait3A_270 = arith.constant 0 : i32
    %dma_wait3A_271 = tpu.memref_slice %arg3[%add3A_14, %dma_wait3A_269, %dma_wait3A_270] : memref<4096x200x64xf32, #tpu.memory_space<hbm>> -> memref<4x200x64xf32, #tpu.memory_space<hbm>>
    tpu.wait_dma2 semaphore(%arg5 : memref<!tpu.dma_semaphore, #tpu.memory_space<semaphore_mem>>) src(%arg4 : memref<4x200x64xf32, #tpu.memory_space<vmem>>) dst(%dma_wait3A_271 : memref<4x200x64xf32, #tpu.memory_space<hbm>>)
    %dma_wait3A_272 = arith.constant 0 : i32
    %dma_wait3A_273 = arith.constant 0 : i32
    %dma_wait3A_274 = tpu.memref_slice %arg3[%add3A_22, %dma_wait3A_272, %dma_wait3A_273] : memref<4096x200x64xf32, #tpu.memory_space<hbm>> -> memref<4x200x64xf32, #tpu.memory_space<hbm>>
    %dma_wait3A_275 = arith.constant 0 : i32
    %dma_wait3A_276 = arith.constant 0 : i32
    %dma_wait3A_277 = tpu.memref_slice %arg3[%add3A_22, %dma_wait3A_275, %dma_wait3A_276] : memref<4096x200x64xf32, #tpu.memory_space<hbm>> -> memref<4x200x64xf32, #tpu.memory_space<hbm>>
    tpu.wait_dma2 semaphore(%arg5 : memref<!tpu.dma_semaphore, #tpu.memory_space<semaphore_mem>>) src(%arg4 : memref<4x200x64xf32, #tpu.memory_space<vmem>>) dst(%dma_wait3A_277 : memref<4x200x64xf32, #tpu.memory_space<hbm>>)
    %dma_wait3A_278 = arith.constant 0 : i32
    %dma_wait3A_279 = arith.constant 0 : i32
    %dma_wait3A_280 = tpu.memref_slice %arg3[%add3A_30, %dma_wait3A_278, %dma_wait3A_279] : memref<4096x200x64xf32, #tpu.memory_space<hbm>> -> memref<4x200x64xf32, #tpu.memory_space<hbm>>
    %dma_wait3A_281 = arith.constant 0 : i32
    %dma_wait3A_282 = arith.constant 0 : i32
    %dma_wait3A_283 = tpu.memref_slice %arg3[%add3A_30, %dma_wait3A_281, %dma_wait3A_282] : memref<4096x200x64xf32, #tpu.memory_space<hbm>> -> memref<4x200x64xf32, #tpu.memory_space<hbm>>
    tpu.wait_dma2 semaphore(%arg5 : memref<!tpu.dma_semaphore, #tpu.memory_space<semaphore_mem>>) src(%arg4 : memref<4x200x64xf32, #tpu.memory_space<vmem>>) dst(%dma_wait3A_283 : memref<4x200x64xf32, #tpu.memory_space<hbm>>)
    %dma_wait3A_284 = arith.constant 0 : i32
    %dma_wait3A_285 = arith.constant 0 : i32
    %dma_wait3A_286 = tpu.memref_slice %arg3[%add3A_38, %dma_wait3A_284, %dma_wait3A_285] : memref<4096x200x64xf32, #tpu.memory_space<hbm>> -> memref<4x200x64xf32, #tpu.memory_space<hbm>>
    %dma_wait3A_287 = arith.constant 0 : i32
    %dma_wait3A_288 = arith.constant 0 : i32
    %dma_wait3A_289 = tpu.memref_slice %arg3[%add3A_38, %dma_wait3A_287, %dma_wait3A_288] : memref<4096x200x64xf32, #tpu.memory_space<hbm>> -> memref<4x200x64xf32, #tpu.memory_space<hbm>>
    tpu.wait_dma2 semaphore(%arg5 : memref<!tpu.dma_semaphore, #tpu.memory_space<semaphore_mem>>) src(%arg4 : memref<4x200x64xf32, #tpu.memory_space<vmem>>) dst(%dma_wait3A_289 : memref<4x200x64xf32, #tpu.memory_space<hbm>>)
    %dma_wait3A_290 = arith.constant 0 : i32
    %dma_wait3A_291 = arith.constant 0 : i32
    %dma_wait3A_292 = tpu.memref_slice %arg3[%add3A_46, %dma_wait3A_290, %dma_wait3A_291] : memref<4096x200x64xf32, #tpu.memory_space<hbm>> -> memref<4x200x64xf32, #tpu.memory_space<hbm>>
    %dma_wait3A_293 = arith.constant 0 : i32
    %dma_wait3A_294 = arith.constant 0 : i32
    %dma_wait3A_295 = tpu.memref_slice %arg3[%add3A_46, %dma_wait3A_293, %dma_wait3A_294] : memref<4096x200x64xf32, #tpu.memory_space<hbm>> -> memref<4x200x64xf32, #tpu.memory_space<hbm>>
    tpu.wait_dma2 semaphore(%arg5 : memref<!tpu.dma_semaphore, #tpu.memory_space<semaphore_mem>>) src(%arg4 : memref<4x200x64xf32, #tpu.memory_space<vmem>>) dst(%dma_wait3A_295 : memref<4x200x64xf32, #tpu.memory_space<hbm>>)
    %dma_wait3A_296 = arith.constant 0 : i32
    %dma_wait3A_297 = arith.constant 0 : i32
    %dma_wait3A_298 = tpu.memref_slice %arg3[%add3A_54, %dma_wait3A_296, %dma_wait3A_297] : memref<4096x200x64xf32, #tpu.memory_space<hbm>> -> memref<4x200x64xf32, #tpu.memory_space<hbm>>
    %dma_wait3A_299 = arith.constant 0 : i32
    %dma_wait3A_300 = arith.constant 0 : i32
    %dma_wait3A_301 = tpu.memref_slice %arg3[%add3A_54, %dma_wait3A_299, %dma_wait3A_300] : memref<4096x200x64xf32, #tpu.memory_space<hbm>> -> memref<4x200x64xf32, #tpu.memory_space<hbm>>
    tpu.wait_dma2 semaphore(%arg5 : memref<!tpu.dma_semaphore, #tpu.memory_space<semaphore_mem>>) src(%arg4 : memref<4x200x64xf32, #tpu.memory_space<vmem>>) dst(%dma_wait3A_301 : memref<4x200x64xf32, #tpu.memory_space<hbm>>)
    %dma_wait3A_302 = arith.constant 0 : i32
    %dma_wait3A_303 = arith.constant 0 : i32
    %dma_wait3A_304 = tpu.memref_slice %arg3[%add3A_62, %dma_wait3A_302, %dma_wait3A_303] : memref<4096x200x64xf32, #tpu.memory_space<hbm>> -> memref<4x200x64xf32, #tpu.memory_space<hbm>>
    %dma_wait3A_305 = arith.constant 0 : i32
    %dma_wait3A_306 = arith.constant 0 : i32
    %dma_wait3A_307 = tpu.memref_slice %arg3[%add3A_62, %dma_wait3A_305, %dma_wait3A_306] : memref<4096x200x64xf32, #tpu.memory_space<hbm>> -> memref<4x200x64xf32, #tpu.memory_space<hbm>>
    tpu.wait_dma2 semaphore(%arg5 : memref<!tpu.dma_semaphore, #tpu.memory_space<semaphore_mem>>) src(%arg4 : memref<4x200x64xf32, #tpu.memory_space<vmem>>) dst(%dma_wait3A_307 : memref<4x200x64xf32, #tpu.memory_space<hbm>>)
    %dma_wait3A_308 = arith.constant 0 : i32
    %dma_wait3A_309 = arith.constant 0 : i32
    %dma_wait3A_310 = tpu.memref_slice %arg3[%add3A_70, %dma_wait3A_308, %dma_wait3A_309] : memref<4096x200x64xf32, #tpu.memory_space<hbm>> -> memref<4x200x64xf32, #tpu.memory_space<hbm>>
    %dma_wait3A_311 = arith.constant 0 : i32
    %dma_wait3A_312 = arith.constant 0 : i32
    %dma_wait3A_313 = tpu.memref_slice %arg3[%add3A_70, %dma_wait3A_311, %dma_wait3A_312] : memref<4096x200x64xf32, #tpu.memory_space<hbm>> -> memref<4x200x64xf32, #tpu.memory_space<hbm>>
    tpu.wait_dma2 semaphore(%arg5 : memref<!tpu.dma_semaphore, #tpu.memory_space<semaphore_mem>>) src(%arg4 : memref<4x200x64xf32, #tpu.memory_space<vmem>>) dst(%dma_wait3A_313 : memref<4x200x64xf32, #tpu.memory_space<hbm>>)
    %dma_wait3A_314 = arith.constant 0 : i32
    %dma_wait3A_315 = arith.constant 0 : i32
    %dma_wait3A_316 = tpu.memref_slice %arg3[%add3A_78, %dma_wait3A_314, %dma_wait3A_315] : memref<4096x200x64xf32, #tpu.memory_space<hbm>> -> memref<4x200x64xf32, #tpu.memory_space<hbm>>
    %dma_wait3A_317 = arith.constant 0 : i32
    %dma_wait3A_318 = arith.constant 0 : i32
    %dma_wait3A_319 = tpu.memref_slice %arg3[%add3A_78, %dma_wait3A_317, %dma_wait3A_318] : memref<4096x200x64xf32, #tpu.memory_space<hbm>> -> memref<4x200x64xf32, #tpu.memory_space<hbm>>
    tpu.wait_dma2 semaphore(%arg5 : memref<!tpu.dma_semaphore, #tpu.memory_space<semaphore_mem>>) src(%arg4 : memref<4x200x64xf32, #tpu.memory_space<vmem>>) dst(%dma_wait3A_319 : memref<4x200x64xf32, #tpu.memory_space<hbm>>)
    %dma_wait3A_320 = arith.constant 0 : i32
    %dma_wait3A_321 = arith.constant 0 : i32
    %dma_wait3A_322 = tpu.memref_slice %arg3[%add3A_86, %dma_wait3A_320, %dma_wait3A_321] : memref<4096x200x64xf32, #tpu.memory_space<hbm>> -> memref<4x200x64xf32, #tpu.memory_space<hbm>>
    %dma_wait3A_323 = arith.constant 0 : i32
    %dma_wait3A_324 = arith.constant 0 : i32
    %dma_wait3A_325 = tpu.memref_slice %arg3[%add3A_86, %dma_wait3A_323, %dma_wait3A_324] : memref<4096x200x64xf32, #tpu.memory_space<hbm>> -> memref<4x200x64xf32, #tpu.memory_space<hbm>>
    tpu.wait_dma2 semaphore(%arg5 : memref<!tpu.dma_semaphore, #tpu.memory_space<semaphore_mem>>) src(%arg4 : memref<4x200x64xf32, #tpu.memory_space<vmem>>) dst(%dma_wait3A_325 : memref<4x200x64xf32, #tpu.memory_space<hbm>>)
    %dma_wait3A_326 = arith.constant 0 : i32
    %dma_wait3A_327 = arith.constant 0 : i32
    %dma_wait3A_328 = tpu.memref_slice %arg3[%add3A_94, %dma_wait3A_326, %dma_wait3A_327] : memref<4096x200x64xf32, #tpu.memory_space<hbm>> -> memref<4x200x64xf32, #tpu.memory_space<hbm>>
    %dma_wait3A_329 = arith.constant 0 : i32
    %dma_wait3A_330 = arith.constant 0 : i32
    %dma_wait3A_331 = tpu.memref_slice %arg3[%add3A_94, %dma_wait3A_329, %dma_wait3A_330] : memref<4096x200x64xf32, #tpu.memory_space<hbm>> -> memref<4x200x64xf32, #tpu.memory_space<hbm>>
    tpu.wait_dma2 semaphore(%arg5 : memref<!tpu.dma_semaphore, #tpu.memory_space<semaphore_mem>>) src(%arg4 : memref<4x200x64xf32, #tpu.memory_space<vmem>>) dst(%dma_wait3A_331 : memref<4x200x64xf32, #tpu.memory_space<hbm>>)
    %dma_wait3A_332 = arith.constant 0 : i32
    %dma_wait3A_333 = arith.constant 0 : i32
    %dma_wait3A_334 = tpu.memref_slice %arg3[%add3A_102, %dma_wait3A_332, %dma_wait3A_333] : memref<4096x200x64xf32, #tpu.memory_space<hbm>> -> memref<4x200x64xf32, #tpu.memory_space<hbm>>
    %dma_wait3A_335 = arith.constant 0 : i32
    %dma_wait3A_336 = arith.constant 0 : i32
    %dma_wait3A_337 = tpu.memref_slice %arg3[%add3A_102, %dma_wait3A_335, %dma_wait3A_336] : memref<4096x200x64xf32, #tpu.memory_space<hbm>> -> memref<4x200x64xf32, #tpu.memory_space<hbm>>
    tpu.wait_dma2 semaphore(%arg5 : memref<!tpu.dma_semaphore, #tpu.memory_space<semaphore_mem>>) src(%arg4 : memref<4x200x64xf32, #tpu.memory_space<vmem>>) dst(%dma_wait3A_337 : memref<4x200x64xf32, #tpu.memory_space<hbm>>)
    %dma_wait3A_338 = arith.constant 0 : i32
    %dma_wait3A_339 = arith.constant 0 : i32
    %dma_wait3A_340 = tpu.memref_slice %arg3[%add3A_110, %dma_wait3A_338, %dma_wait3A_339] : memref<4096x200x64xf32, #tpu.memory_space<hbm>> -> memref<4x200x64xf32, #tpu.memory_space<hbm>>
    %dma_wait3A_341 = arith.constant 0 : i32
    %dma_wait3A_342 = arith.constant 0 : i32
    %dma_wait3A_343 = tpu.memref_slice %arg3[%add3A_110, %dma_wait3A_341, %dma_wait3A_342] : memref<4096x200x64xf32, #tpu.memory_space<hbm>> -> memref<4x200x64xf32, #tpu.memory_space<hbm>>
    tpu.wait_dma2 semaphore(%arg5 : memref<!tpu.dma_semaphore, #tpu.memory_space<semaphore_mem>>) src(%arg4 : memref<4x200x64xf32, #tpu.memory_space<vmem>>) dst(%dma_wait3A_343 : memref<4x200x64xf32, #tpu.memory_space<hbm>>)
    %dma_wait3A_344 = arith.constant 0 : i32
    %dma_wait3A_345 = arith.constant 0 : i32
    %dma_wait3A_346 = tpu.memref_slice %arg3[%add3A_118, %dma_wait3A_344, %dma_wait3A_345] : memref<4096x200x64xf32, #tpu.memory_space<hbm>> -> memref<4x200x64xf32, #tpu.memory_space<hbm>>
    %dma_wait3A_347 = arith.constant 0 : i32
    %dma_wait3A_348 = arith.constant 0 : i32
    %dma_wait3A_349 = tpu.memref_slice %arg3[%add3A_118, %dma_wait3A_347, %dma_wait3A_348] : memref<4096x200x64xf32, #tpu.memory_space<hbm>> -> memref<4x200x64xf32, #tpu.memory_space<hbm>>
    tpu.wait_dma2 semaphore(%arg5 : memref<!tpu.dma_semaphore, #tpu.memory_space<semaphore_mem>>) src(%arg4 : memref<4x200x64xf32, #tpu.memory_space<vmem>>) dst(%dma_wait3A_349 : memref<4x200x64xf32, #tpu.memory_space<hbm>>)
    %dma_wait3A_350 = arith.constant 0 : i32
    %dma_wait3A_351 = arith.constant 0 : i32
    %dma_wait3A_352 = tpu.memref_slice %arg3[%add3A_126, %dma_wait3A_350, %dma_wait3A_351] : memref<4096x200x64xf32, #tpu.memory_space<hbm>> -> memref<4x200x64xf32, #tpu.memory_space<hbm>>
    %dma_wait3A_353 = arith.constant 0 : i32
    %dma_wait3A_354 = arith.constant 0 : i32
    %dma_wait3A_355 = tpu.memref_slice %arg3[%add3A_126, %dma_wait3A_353, %dma_wait3A_354] : memref<4096x200x64xf32, #tpu.memory_space<hbm>> -> memref<4x200x64xf32, #tpu.memory_space<hbm>>
    tpu.wait_dma2 semaphore(%arg5 : memref<!tpu.dma_semaphore, #tpu.memory_space<semaphore_mem>>) src(%arg4 : memref<4x200x64xf32, #tpu.memory_space<vmem>>) dst(%dma_wait3A_355 : memref<4x200x64xf32, #tpu.memory_space<hbm>>)
    %dma_wait3A_356 = arith.constant 0 : i32
    %dma_wait3A_357 = arith.constant 0 : i32
    %dma_wait3A_358 = tpu.memref_slice %arg3[%add3A_134, %dma_wait3A_356, %dma_wait3A_357] : memref<4096x200x64xf32, #tpu.memory_space<hbm>> -> memref<4x200x64xf32, #tpu.memory_space<hbm>>
    %dma_wait3A_359 = arith.constant 0 : i32
    %dma_wait3A_360 = arith.constant 0 : i32
    %dma_wait3A_361 = tpu.memref_slice %arg3[%add3A_134, %dma_wait3A_359, %dma_wait3A_360] : memref<4096x200x64xf32, #tpu.memory_space<hbm>> -> memref<4x200x64xf32, #tpu.memory_space<hbm>>
    tpu.wait_dma2 semaphore(%arg5 : memref<!tpu.dma_semaphore, #tpu.memory_space<semaphore_mem>>) src(%arg4 : memref<4x200x64xf32, #tpu.memory_space<vmem>>) dst(%dma_wait3A_361 : memref<4x200x64xf32, #tpu.memory_space<hbm>>)
    %dma_wait3A_362 = arith.constant 0 : i32
    %dma_wait3A_363 = arith.constant 0 : i32
    %dma_wait3A_364 = tpu.memref_slice %arg3[%add3A_142, %dma_wait3A_362, %dma_wait3A_363] : memref<4096x200x64xf32, #tpu.memory_space<hbm>> -> memref<4x200x64xf32, #tpu.memory_space<hbm>>
    %dma_wait3A_365 = arith.constant 0 : i32
    %dma_wait3A_366 = arith.constant 0 : i32
    %dma_wait3A_367 = tpu.memref_slice %arg3[%add3A_142, %dma_wait3A_365, %dma_wait3A_366] : memref<4096x200x64xf32, #tpu.memory_space<hbm>> -> memref<4x200x64xf32, #tpu.memory_space<hbm>>
    tpu.wait_dma2 semaphore(%arg5 : memref<!tpu.dma_semaphore, #tpu.memory_space<semaphore_mem>>) src(%arg4 : memref<4x200x64xf32, #tpu.memory_space<vmem>>) dst(%dma_wait3A_367 : memref<4x200x64xf32, #tpu.memory_space<hbm>>)
    %dma_wait3A_368 = arith.constant 0 : i32
    %dma_wait3A_369 = arith.constant 0 : i32
    %dma_wait3A_370 = tpu.memref_slice %arg3[%add3A_150, %dma_wait3A_368, %dma_wait3A_369] : memref<4096x200x64xf32, #tpu.memory_space<hbm>> -> memref<4x200x64xf32, #tpu.memory_space<hbm>>
    %dma_wait3A_371 = arith.constant 0 : i32
    %dma_wait3A_372 = arith.constant 0 : i32
    %dma_wait3A_373 = tpu.memref_slice %arg3[%add3A_150, %dma_wait3A_371, %dma_wait3A_372] : memref<4096x200x64xf32, #tpu.memory_space<hbm>> -> memref<4x200x64xf32, #tpu.memory_space<hbm>>
    tpu.wait_dma2 semaphore(%arg5 : memref<!tpu.dma_semaphore, #tpu.memory_space<semaphore_mem>>) src(%arg4 : memref<4x200x64xf32, #tpu.memory_space<vmem>>) dst(%dma_wait3A_373 : memref<4x200x64xf32, #tpu.memory_space<hbm>>)
    %dma_wait3A_374 = arith.constant 0 : i32
    %dma_wait3A_375 = arith.constant 0 : i32
    %dma_wait3A_376 = tpu.memref_slice %arg3[%add3A_158, %dma_wait3A_374, %dma_wait3A_375] : memref<4096x200x64xf32, #tpu.memory_space<hbm>> -> memref<4x200x64xf32, #tpu.memory_space<hbm>>
    %dma_wait3A_377 = arith.constant 0 : i32
    %dma_wait3A_378 = arith.constant 0 : i32
    %dma_wait3A_379 = tpu.memref_slice %arg3[%add3A_158, %dma_wait3A_377, %dma_wait3A_378] : memref<4096x200x64xf32, #tpu.memory_space<hbm>> -> memref<4x200x64xf32, #tpu.memory_space<hbm>>
    tpu.wait_dma2 semaphore(%arg5 : memref<!tpu.dma_semaphore, #tpu.memory_space<semaphore_mem>>) src(%arg4 : memref<4x200x64xf32, #tpu.memory_space<vmem>>) dst(%dma_wait3A_379 : memref<4x200x64xf32, #tpu.memory_space<hbm>>)
    %dma_wait3A_380 = arith.constant 0 : i32
    %dma_wait3A_381 = arith.constant 0 : i32
    %dma_wait3A_382 = tpu.memref_slice %arg3[%add3A_166, %dma_wait3A_380, %dma_wait3A_381] : memref<4096x200x64xf32, #tpu.memory_space<hbm>> -> memref<4x200x64xf32, #tpu.memory_space<hbm>>
    %dma_wait3A_383 = arith.constant 0 : i32
    %dma_wait3A_384 = arith.constant 0 : i32
    %dma_wait3A_385 = tpu.memref_slice %arg3[%add3A_166, %dma_wait3A_383, %dma_wait3A_384] : memref<4096x200x64xf32, #tpu.memory_space<hbm>> -> memref<4x200x64xf32, #tpu.memory_space<hbm>>
    tpu.wait_dma2 semaphore(%arg5 : memref<!tpu.dma_semaphore, #tpu.memory_space<semaphore_mem>>) src(%arg4 : memref<4x200x64xf32, #tpu.memory_space<vmem>>) dst(%dma_wait3A_385 : memref<4x200x64xf32, #tpu.memory_space<hbm>>)
    %dma_wait3A_386 = arith.constant 0 : i32
    %dma_wait3A_387 = arith.constant 0 : i32
    %dma_wait3A_388 = tpu.memref_slice %arg3[%add3A_174, %dma_wait3A_386, %dma_wait3A_387] : memref<4096x200x64xf32, #tpu.memory_space<hbm>> -> memref<4x200x64xf32, #tpu.memory_space<hbm>>
    %dma_wait3A_389 = arith.constant 0 : i32
    %dma_wait3A_390 = arith.constant 0 : i32
    %dma_wait3A_391 = tpu.memref_slice %arg3[%add3A_174, %dma_wait3A_389, %dma_wait3A_390] : memref<4096x200x64xf32, #tpu.memory_space<hbm>> -> memref<4x200x64xf32, #tpu.memory_space<hbm>>
    tpu.wait_dma2 semaphore(%arg5 : memref<!tpu.dma_semaphore, #tpu.memory_space<semaphore_mem>>) src(%arg4 : memref<4x200x64xf32, #tpu.memory_space<vmem>>) dst(%dma_wait3A_391 : memref<4x200x64xf32, #tpu.memory_space<hbm>>)
    %dma_wait3A_392 = arith.constant 0 : i32
    %dma_wait3A_393 = arith.constant 0 : i32
    %dma_wait3A_394 = tpu.memref_slice %arg3[%add3A_182, %dma_wait3A_392, %dma_wait3A_393] : memref<4096x200x64xf32, #tpu.memory_space<hbm>> -> memref<4x200x64xf32, #tpu.memory_space<hbm>>
    %dma_wait3A_395 = arith.constant 0 : i32
    %dma_wait3A_396 = arith.constant 0 : i32
    %dma_wait3A_397 = tpu.memref_slice %arg3[%add3A_182, %dma_wait3A_395, %dma_wait3A_396] : memref<4096x200x64xf32, #tpu.memory_space<hbm>> -> memref<4x200x64xf32, #tpu.memory_space<hbm>>
    tpu.wait_dma2 semaphore(%arg5 : memref<!tpu.dma_semaphore, #tpu.memory_space<semaphore_mem>>) src(%arg4 : memref<4x200x64xf32, #tpu.memory_space<vmem>>) dst(%dma_wait3A_397 : memref<4x200x64xf32, #tpu.memory_space<hbm>>)
    %dma_wait3A_398 = arith.constant 0 : i32
    %dma_wait3A_399 = arith.constant 0 : i32
    %dma_wait3A_400 = tpu.memref_slice %arg3[%add3A_190, %dma_wait3A_398, %dma_wait3A_399] : memref<4096x200x64xf32, #tpu.memory_space<hbm>> -> memref<4x200x64xf32, #tpu.memory_space<hbm>>
    %dma_wait3A_401 = arith.constant 0 : i32
    %dma_wait3A_402 = arith.constant 0 : i32
    %dma_wait3A_403 = tpu.memref_slice %arg3[%add3A_190, %dma_wait3A_401, %dma_wait3A_402] : memref<4096x200x64xf32, #tpu.memory_space<hbm>> -> memref<4x200x64xf32, #tpu.memory_space<hbm>>
    tpu.wait_dma2 semaphore(%arg5 : memref<!tpu.dma_semaphore, #tpu.memory_space<semaphore_mem>>) src(%arg4 : memref<4x200x64xf32, #tpu.memory_space<vmem>>) dst(%dma_wait3A_403 : memref<4x200x64xf32, #tpu.memory_space<hbm>>)
    %dma_wait3A_404 = arith.constant 0 : i32
    %dma_wait3A_405 = arith.constant 0 : i32
    %dma_wait3A_406 = tpu.memref_slice %arg3[%add3A_198, %dma_wait3A_404, %dma_wait3A_405] : memref<4096x200x64xf32, #tpu.memory_space<hbm>> -> memref<4x200x64xf32, #tpu.memory_space<hbm>>
    %dma_wait3A_407 = arith.constant 0 : i32
    %dma_wait3A_408 = arith.constant 0 : i32
    %dma_wait3A_409 = tpu.memref_slice %arg3[%add3A_198, %dma_wait3A_407, %dma_wait3A_408] : memref<4096x200x64xf32, #tpu.memory_space<hbm>> -> memref<4x200x64xf32, #tpu.memory_space<hbm>>
    tpu.wait_dma2 semaphore(%arg5 : memref<!tpu.dma_semaphore, #tpu.memory_space<semaphore_mem>>) src(%arg4 : memref<4x200x64xf32, #tpu.memory_space<vmem>>) dst(%dma_wait3A_409 : memref<4x200x64xf32, #tpu.memory_space<hbm>>)
    %dma_wait3A_410 = arith.constant 0 : i32
    %dma_wait3A_411 = arith.constant 0 : i32
    %dma_wait3A_412 = tpu.memref_slice %arg3[%add3A_206, %dma_wait3A_410, %dma_wait3A_411] : memref<4096x200x64xf32, #tpu.memory_space<hbm>> -> memref<4x200x64xf32, #tpu.memory_space<hbm>>
    %dma_wait3A_413 = arith.constant 0 : i32
    %dma_wait3A_414 = arith.constant 0 : i32
    %dma_wait3A_415 = tpu.memref_slice %arg3[%add3A_206, %dma_wait3A_413, %dma_wait3A_414] : memref<4096x200x64xf32, #tpu.memory_space<hbm>> -> memref<4x200x64xf32, #tpu.memory_space<hbm>>
    tpu.wait_dma2 semaphore(%arg5 : memref<!tpu.dma_semaphore, #tpu.memory_space<semaphore_mem>>) src(%arg4 : memref<4x200x64xf32, #tpu.memory_space<vmem>>) dst(%dma_wait3A_415 : memref<4x200x64xf32, #tpu.memory_space<hbm>>)
    %dma_wait3A_416 = arith.constant 0 : i32
    %dma_wait3A_417 = arith.constant 0 : i32
    %dma_wait3A_418 = tpu.memref_slice %arg3[%add3A_214, %dma_wait3A_416, %dma_wait3A_417] : memref<4096x200x64xf32, #tpu.memory_space<hbm>> -> memref<4x200x64xf32, #tpu.memory_space<hbm>>
    %dma_wait3A_419 = arith.constant 0 : i32
    %dma_wait3A_420 = arith.constant 0 : i32
    %dma_wait3A_421 = tpu.memref_slice %arg3[%add3A_214, %dma_wait3A_419, %dma_wait3A_420] : memref<4096x200x64xf32, #tpu.memory_space<hbm>> -> memref<4x200x64xf32, #tpu.memory_space<hbm>>
    tpu.wait_dma2 semaphore(%arg5 : memref<!tpu.dma_semaphore, #tpu.memory_space<semaphore_mem>>) src(%arg4 : memref<4x200x64xf32, #tpu.memory_space<vmem>>) dst(%dma_wait3A_421 : memref<4x200x64xf32, #tpu.memory_space<hbm>>)
    %dma_wait3A_422 = arith.constant 0 : i32
    %dma_wait3A_423 = arith.constant 0 : i32
    %dma_wait3A_424 = tpu.memref_slice %arg3[%add3A_222, %dma_wait3A_422, %dma_wait3A_423] : memref<4096x200x64xf32, #tpu.memory_space<hbm>> -> memref<4x200x64xf32, #tpu.memory_space<hbm>>
    %dma_wait3A_425 = arith.constant 0 : i32
    %dma_wait3A_426 = arith.constant 0 : i32
    %dma_wait3A_427 = tpu.memref_slice %arg3[%add3A_222, %dma_wait3A_425, %dma_wait3A_426] : memref<4096x200x64xf32, #tpu.memory_space<hbm>> -> memref<4x200x64xf32, #tpu.memory_space<hbm>>
    tpu.wait_dma2 semaphore(%arg5 : memref<!tpu.dma_semaphore, #tpu.memory_space<semaphore_mem>>) src(%arg4 : memref<4x200x64xf32, #tpu.memory_space<vmem>>) dst(%dma_wait3A_427 : memref<4x200x64xf32, #tpu.memory_space<hbm>>)
    %dma_wait3A_428 = arith.constant 0 : i32
    %dma_wait3A_429 = arith.constant 0 : i32
    %dma_wait3A_430 = tpu.memref_slice %arg3[%add3A_230, %dma_wait3A_428, %dma_wait3A_429] : memref<4096x200x64xf32, #tpu.memory_space<hbm>> -> memref<4x200x64xf32, #tpu.memory_space<hbm>>
    %dma_wait3A_431 = arith.constant 0 : i32
    %dma_wait3A_432 = arith.constant 0 : i32
    %dma_wait3A_433 = tpu.memref_slice %arg3[%add3A_230, %dma_wait3A_431, %dma_wait3A_432] : memref<4096x200x64xf32, #tpu.memory_space<hbm>> -> memref<4x200x64xf32, #tpu.memory_space<hbm>>
    tpu.wait_dma2 semaphore(%arg5 : memref<!tpu.dma_semaphore, #tpu.memory_space<semaphore_mem>>) src(%arg4 : memref<4x200x64xf32, #tpu.memory_space<vmem>>) dst(%dma_wait3A_433 : memref<4x200x64xf32, #tpu.memory_space<hbm>>)
    %dma_wait3A_434 = arith.constant 0 : i32
    %dma_wait3A_435 = arith.constant 0 : i32
    %dma_wait3A_436 = tpu.memref_slice %arg3[%add3A_238, %dma_wait3A_434, %dma_wait3A_435] : memref<4096x200x64xf32, #tpu.memory_space<hbm>> -> memref<4x200x64xf32, #tpu.memory_space<hbm>>
    %dma_wait3A_437 = arith.constant 0 : i32
    %dma_wait3A_438 = arith.constant 0 : i32
    %dma_wait3A_439 = tpu.memref_slice %arg3[%add3A_238, %dma_wait3A_437, %dma_wait3A_438] : memref<4096x200x64xf32, #tpu.memory_space<hbm>> -> memref<4x200x64xf32, #tpu.memory_space<hbm>>
    tpu.wait_dma2 semaphore(%arg5 : memref<!tpu.dma_semaphore, #tpu.memory_space<semaphore_mem>>) src(%arg4 : memref<4x200x64xf32, #tpu.memory_space<vmem>>) dst(%dma_wait3A_439 : memref<4x200x64xf32, #tpu.memory_space<hbm>>)
    %dma_wait3A_440 = arith.constant 0 : i32
    %dma_wait3A_441 = arith.constant 0 : i32
    %dma_wait3A_442 = tpu.memref_slice %arg3[%add3A_246, %dma_wait3A_440, %dma_wait3A_441] : memref<4096x200x64xf32, #tpu.memory_space<hbm>> -> memref<4x200x64xf32, #tpu.memory_space<hbm>>
    %dma_wait3A_443 = arith.constant 0 : i32
    %dma_wait3A_444 = arith.constant 0 : i32
    %dma_wait3A_445 = tpu.memref_slice %arg3[%add3A_246, %dma_wait3A_443, %dma_wait3A_444] : memref<4096x200x64xf32, #tpu.memory_space<hbm>> -> memref<4x200x64xf32, #tpu.memory_space<hbm>>
    tpu.wait_dma2 semaphore(%arg5 : memref<!tpu.dma_semaphore, #tpu.memory_space<semaphore_mem>>) src(%arg4 : memref<4x200x64xf32, #tpu.memory_space<vmem>>) dst(%dma_wait3A_445 : memref<4x200x64xf32, #tpu.memory_space<hbm>>)
    %dma_wait3A_446 = arith.constant 0 : i32
    %dma_wait3A_447 = arith.constant 0 : i32
    %dma_wait3A_448 = tpu.memref_slice %arg3[%add3A_254, %dma_wait3A_446, %dma_wait3A_447] : memref<4096x200x64xf32, #tpu.memory_space<hbm>> -> memref<4x200x64xf32, #tpu.memory_space<hbm>>
    %dma_wait3A_449 = arith.constant 0 : i32
    %dma_wait3A_450 = arith.constant 0 : i32
    %dma_wait3A_451 = tpu.memref_slice %arg3[%add3A_254, %dma_wait3A_449, %dma_wait3A_450] : memref<4096x200x64xf32, #tpu.memory_space<hbm>> -> memref<4x200x64xf32, #tpu.memory_space<hbm>>
    tpu.wait_dma2 semaphore(%arg5 : memref<!tpu.dma_semaphore, #tpu.memory_space<semaphore_mem>>) src(%arg4 : memref<4x200x64xf32, #tpu.memory_space<vmem>>) dst(%dma_wait3A_451 : memref<4x200x64xf32, #tpu.memory_space<hbm>>)
    return
  }
}

</mosaic_0001>

<sc_bundles>
// kernel: _pos_broadcast.3.cloned.1.call-start
scs
__scs_entry_jumppad:
0x0: {  	(pc) =	sbr.rel $0x88, $3  }
0x1: {  	(tag) =	ssettag $0x0;
	lr =	simm.s32 $0x1  }
0x2: {  	[smem:$0x3FA0] =	sst lr;
	_ =	strace $0xD0000000  }
0x3: {  	_ = 	snop  }
0x4: {  	_ = 	snop  }
0x5: {  	_ = 	snop  }
0x6: {  	_ = 	snop  }
0x7: {  	_ = 	snop  }
__scs_overlays_trampoline_lowered:
0x8: {  	[smem:$0x3FAF] =	sst s0  }
0x9: {  	[smem:$0x3FB0] =	sst s1  }
0xa: {  	[smem:$0x3FB1] =	sst s2  }
0xb: {  	[smem:$0x3FB2] =	sst s3  }
0xc: {  	[smem:$0x3FB3] =	sst s4  }
0xd: {  	[smem:$0x3FB4] =	sst s5  }
0xe: {  	[smem:$0x3FB5] =	sst s6  }
0xf: {  	[smem:$0x3FB6] =	sst s7  }
0x10: {  	[smem:$0x3FB7] =	sst s8  }
0x11: {  	[smem:$0x3FB8] =	sst s9;
	s0 =	simm.s32 @!p0 $0x0  }
0x12: {  	s1 =	sld [smem:$0x3F9E];
	s0 =	simm.s32 @p0 $0x1  }
0x13: {  	[smem:$0x3FB9] =	sst s0;
	s0 =	simm.s32 @!p1 $0x0  }
0x14: {  	s2 =	sld [smem:$0x3F9D];
	s0 =	simm.s32 @p1 $0x1  }
0x15: {  	[smem:$0x3FBA] =	sst s0;
	s0 =	simm.s32 @!p2 $0x0  }
0x16: {  	s3 =	sld [smem:$0x3FDB];
	s0 =	simm.s32 @p2 $0x1  }
0x17: {  	s4 =	simm.s32 $0x1BF5;
	[smem:$0x3FBC] =	sst s0  }
0x18: {  	s0 =	sld [smem:$0x3F9F];
	_ =	swait.ge [sflag:s4], $0x0  }
0x19: {  	s7 =	sld [smem:$0x3FA0]  }
0x1a: {  	s8 =	sadd.s32 $0xFFFFE003, lr  }
0x1b: {  	s9 =	sadd.s32 $0xFFFFFEF7, lr;
	s5 =	simm.s32 $0xFFFFFFFF;
	p2 =	slt.u32 s8, $0xFFFFF086  }
0x1c: {  	p1 =	slt.u32 s9, $0xF7A;
	s5 =	simm.s32 @!p2 $0x0  }
0x1d: {  	s5 =	simm.s32 @p1 $0x1;
	p0 =	seq.s32 s7, s2  }
0x1e: {  	s7 =	smul.u32 @!p0 $0xF7A, s2;
	p2 =	seq.s32 @!p0 s5, $0x0  }
0x1f: {  	s9 =	smul.u32 $0xF7A, s1;
	s8 =	simm.s32 @!p0 $0x1BF5;
	p2 =	por !p2, p0  }
0x20: {  	[sflag:s8] =	ssyncset.s32 @!p0 $0xFFFFF086;
	s6 =	sadd.s32 @!p0 s3, s7;
	s7 =	simm.s32 @!p0 $0x108  }
0x21: {  	s3 =	sadd.s32 s3, s9;
	s6 =	sadd.s32 @!p0 $0x88, s6;
	s7 =	simm.s32 @p2 $0x1082  }
0x22: {  	[simem:s7], [sflag:s8] =	dma.local @!p0 [hbm:s6], $0xF7A  }
0x23: {  	s9 =	sor.u32 $0xD0000000, s2;
	s6 =	simm.s32 $0x108;
	_ =	swait.ge @!p0 [sflag:s8], $0x0  }
0x24: {  	s3 =	sadd.s32 $0x88, s3;
	s6 =	simm.s32 @!p1 $0x1082;
	[sflag:s4] =	ssyncset.s32 $0xFFFFF086  }
0x25: {  	[simem:s6], [sflag:s4] =	dma.local [hbm:s3], $0xF7A  }
0x26: {  	[smem:$0x3FA0] =	sst s1;
	(tag) =	ssettag s2;
	_ =	strace s9  }
0x27: {  	s1 =	sld [smem:$0x3FB0]  }
0x28: {  	s2 =	sld [smem:$0x3FB1]  }
0x29: {  	s4 =	sld [smem:$0x3FB3]  }
0x2a: {  	p0 =	seq.s32 s5, $0x0;
	s5 =	sld [smem:$0x3FB4]  }
0x2b: {  	s6 =	sld [smem:$0x3FB5]  }
0x2c: {  	s7 =	sld [smem:$0x3FB6]  }
0x2d: {  	s3 =	simm.s32 $0x108;
	s8 =	sld [smem:$0x3FB7]  }
0x2e: {  	s3 =	simm.s32 @!p0 $0x1082;
	s9 =	sld [smem:$0x3FB8]  }
0x2f: {  	lr =	sadd.s32 s0, s3;
	s0 =	sld [smem:$0x3FAF]  }
0x30: {  	s3 =	sld [smem:$0x3FB2]  }
0x31: {  	[smem:$0x3FBB] =	sst s10  }
0x32: {  	s10 =	sld [smem:$0x3FB9];
	_ =	sdelay $0x3  }
0x33: {  	p0 =	seq.s32 s10, $0x1;
	s10 =	sld [smem:$0x3FBB];
	_ =	sdelay $0x3  }
0x34: {  	[smem:$0x3FBB] =	sst s10  }
0x35: {  	s10 =	sld [smem:$0x3FBA];
	_ =	sdelay $0x3  }
0x36: {  	p1 =	seq.s32 s10, $0x1;
	s10 =	sld [smem:$0x3FBB];
	_ =	sdelay $0x3  }
0x37: {  	[smem:$0x3FBB] =	sst s10  }
0x38: {  	s10 =	sld [smem:$0x3FBC]  }
0x39: {  	_ = 	snop;
	(pc) =	sbr.ind lr, $3  }
0x3a: {  	_ = 	snop  }
0x3b: {  	_ = 	snop  }
0x3c: {  	p2 =	seq.s32 s10, $0x1;
	s10 =	sld [smem:$0x3FBB]  }
0x3d: {  	_ =	shalt  }
0x3e: {  	_ =	shalt  }
0x3f: {  	_ =	shalt  }
0x40: {  	_ =	shalt  }
0x41: {  	_ =	shalt  }
0x42: {  	_ =	shalt  }
0x43: {  	_ =	shalt  }
0x44: {  	_ =	shalt  }
0x45: {  	_ =	shalt  }
0x46: {  	_ =	shalt  }
0x47: {  	_ =	shalt  }
0x48: {  	_ =	shalt  }
0x49: {  	_ =	shalt  }
0x4a: {  	_ =	shalt  }
0x4b: {  	_ =	shalt  }
0x4c: {  	_ =	shalt  }
0x4d: {  	_ =	shalt  }
0x4e: {  	_ =	shalt  }
0x4f: {  	_ =	shalt  }
0x50: {  	_ =	shalt  }
0x51: {  	_ =	shalt  }
0x52: {  	_ =	shalt  }
0x53: {  	_ =	shalt  }
0x54: {  	_ =	shalt  }
0x55: {  	_ =	shalt  }
0x56: {  	_ =	shalt  }
0x57: {  	_ =	shalt  }
0x58: {  	_ =	shalt  }
0x59: {  	_ =	shalt  }
0x5a: {  	_ =	shalt  }
0x5b: {  	_ =	shalt  }
0x5c: {  	_ =	shalt  }
0x5d: {  	_ =	shalt  }
0x5e: {  	_ =	shalt  }
0x5f: {  	_ =	shalt  }
0x60: {  	_ =	shalt  }
0x61: {  	_ =	shalt  }
0x62: {  	_ =	shalt  }
0x63: {  	_ =	shalt  }
0x64: {  	_ =	shalt  }
0x65: {  	_ =	shalt  }
0x66: {  	_ =	shalt  }
0x67: {  	_ =	shalt  }
0x68: {  	_ =	shalt  }
0x69: {  	_ =	shalt  }
0x6a: {  	_ =	shalt  }
0x6b: {  	_ =	shalt  }
0x6c: {  	_ =	shalt  }
0x6d: {  	_ =	shalt  }
0x6e: {  	_ =	shalt  }
0x6f: {  	_ =	shalt  }
0x70: {  	_ =	shalt  }
0x71: {  	_ =	shalt  }
0x72: {  	_ =	shalt  }
0x73: {  	_ =	shalt  }
0x74: {  	_ =	shalt  }
0x75: {  	_ =	shalt  }
0x76: {  	_ =	shalt  }
0x77: {  	_ =	shalt  }
0x78: {  	_ =	shalt  }
0x79: {  	_ =	shalt  }
0x7a: {  	_ =	shalt  }
0x7b: {  	_ =	shalt  }
0x7c: {  	_ =	shalt  }
0x7d: {  	_ =	shalt  }
0x7e: {  	_ =	shalt  }
0x7f: {  	_ =	shalt  }
0x80: {  	_ =	shalt  }
0x81: {  	_ =	shalt  }
0x82: {  	_ =	shalt  }
0x83: {  	_ =	shalt  }
0x84: {  	_ =	shalt  }
0x85: {  	_ =	shalt  }
0x86: {  	_ =	shalt  }
0x87: {  	_ =	shalt  }
.Lfunc_end0:
.L_simem_size_0:
called_computation_lowered:
.L_overlay_start_0:
0x88: {  	s2 =	sld [smem:$0x3FD9]  }
0x89: {  	s3 =	sld [smem:$0x3FFE];
	_ =	sdelay $0x1  }
0x8a: {  	s1 =	srdreg.scid  }
0x8b: {  	s0 =	sand.u32 $0x1, s1  }
0x8c: {  	s17 =	sshll.u32 s0, $0xA;
	s2 =	sadd.s32 s3, s2  }
0x8d: {  	s2 =	sadd.s32 s2, s17  }
0x8e: {  	[smem:$0x3FC7] =	sst s2  }
0x8f: {  	_ = 	snop  }
0x90: {  	s2 =	sld [smem:$0x3FD0];
	(tm) =	ssettm $0x1  }
0x91: {  	s18 =	sld [smem:$0x3FFB];
	_ =	sdelay $0x3  }
0x92: {  	_ =	strace s18  }
0x93: {  	s3 =	sld [smem:$0x3FFC];
	_ =	sdelay $0x3  }
0x94: {  	_ =	strace s3  }
0x95: {  	s3 =	sld [smem:$0x3FFD];
	_ =	sdelay $0x3  }
0x96: {  	_ =	strace s3  }
0x97: {  	_ =	strace $0x8FFFFFFF  }
0x98: {  	s19 =	sld [smem:$0x3FDB];
	_ =	sdelay $0x1  }
0x99: {  	s4 =	simm.s32 $_scs_section_size  }
0x9a: {  	s5 =	simm.s32 $_size__tile_overlayer_lowered;
	s6 =	simm.s32 $_tile_overlayer_lowered  }
0x9b: {  	s22 =	simm.s32 $0x1BFF;
	s21 =	sshll.u32 s6, $0x1;
	s3 =	sadd.s32 s4, s19  }
0x9c: {  	s7 =	simm.s32 $0x0;
	s20 =	sshll.u32 s5, $0x1;
	s5 =	sadd.s32 s21, s3  }
0x9d: {  	[timem:s7], [sflag:s22] =	dma.local [hbm:s5], s20  }
0x9e: {  	_ =	swait.ge [sflag:s22], s20  }
0x9f: {  	s4 =	ssub.s32 $0x0, s20;
	[sflag:s22] =	ssyncset.done $0x0  }
0xa0: {  	[sflag:s22] =	ssyncadd.s32 s4;
	_ =	sdelay $0x1  }
0xa1: {  	s23 =	simm.s32 $0x1B8B  }
0xa2: {  	_ =	swait.ge [sflag:s23], $0x1  }
0xa3: {  	[sflag:s23] =	ssyncset.done $0x0  }
0xa4: {  	s25 =	simm.s32 $0x1B8E;
	s24 =	sld [smem:$0x3FFE];
	[sflag:s23] =	ssyncadd.s32 $0xFFFFFFFF  }
0xa5: {  	s26 =	simm.s32 $execute0_lowered;
	[smem:$0x3FD2] =	sst s25  }
0xa6: {  	s5 =	sshll.u32 s26, $0x1;
	_ =	strace $0x80000046;
	[dreg:$0x1] =	wrdreg $0xFFFFFFFF  }
0xa7: {  	s28 =	simm.s32 $_size_execute0_lowered;
	s3 =	sadd.s32 s3, s5;
	[dreg:$0x0] =	wrdreg $0x0  }
0xa8: {  	s5 =	sshll.u32 s28, $0x1;
	[dreg:$0x2] =	wrdreg s3  }
0xa9: {  	[dreg:$0x3] =	wrdreg s5  }
0xaa: {  	[dreg:$0x4] =	wrdreg $0xC0  }
0xab: {  	_ =	task [dreg:s7], $0x5FFFF  }
0xac: {  	[dreg:$0x1] =	wrdreg $0xFFFFFFFF  }
0xad: {  	[dreg:$0x0] =	wrdreg $0x60  }
0xae: {  	[dreg:$0x2] =	wrdreg s2  }
0xaf: {  	[dreg:$0x3] =	wrdreg s24  }
0xb0: {  	[dreg:$0x4] =	wrdreg $0x9  }
0xb1: {  	_ =	task.clear_ibuf [dreg:s7], $0x5FFFF;
	_ =	strace $0x90000046  }
0xb2: {  	s29 =	simm.s32 $0x9;
	_ =	strace $0x80000048  }
0xb3: {  	_ =	swait.ge [sflag:s29], $0x1  }
0xb4: {  	[sflag:s29] =	ssyncadd.s32 $0xFFFFFFFF  }
0xb5: {  	_ =	strace $0x90000048  }
0xb6: {  	_ =	sfence  }
0xb7: {  	s30 =	sld [smem:$0x0];
	_ =	sdelay $0x2  }
0xb8: {  	s31 =	sshll.u32 s1, $0xD;
	s1 =	sshrl.u32 s1, $0x2  }
0xb9: {  	s3 =	sand.u32 $0x4000, s31;
	s1 =	sadd.s32 s1, s30  }
0xba: {  	s0 =	sor.u32 s3, s0;
	s1 =	sshll.u32 s1, $0x11  }
0xbb: {  	s0 =	sor.u32 s1, s0  }
0xbc: {  	s0 =	sadd.s32 $0x8F2B, s0  }
0xbd: {  	[sflag:s0] =	ssyncadd.remote.s32 $0x1  }
0xbe: {  	_ =	sfence.sel $0xFFFF  }
0xbf: {  	[dreg:$0x0] =	wrdreg $0xFFFFFFFF;
	(pc) =	sbr.abs _section_cstart, $3  }
0xc0: {  	[dreg:$0x1] =	wrdreg $0xFFFFFFFF  }
0xc1: {  	_ =	task.clear_ibuf [dreg:s7], $0x2FFFF;
	_ =	strace $0x9FFFFFFF  }
0xc2: {  	(tm) =	ssettm $0x7FFFFFFF  }
0xc3: {  	_ =	shalt  }
tec
execute0_lowered:
.L_overlay_start_1:
0x0: {  	(tag) =	ssettag $0x1  }
0x1: {  	s1 =	srdreg.scid  }
0x2: {  	s0 =	stileid.u32;
	s1 =	sand.u32 $0x1, s1  }
0x3: {  	s2 =	sshll.u32 s0, $0x8;
	s3 =	sshll.u32 s1, $0x7  }
0x4: {  	s3 =	sor.u32 s3, s2  }
0x5: {  	s4 =	smul.u32 $0xC80, s3  }
0x6: {  	s5 =	rddreg [dreg:$0x1];
	s6 =	smul.u32 $0x6400, s3  }
0x7: {  	s5 =	sadd.s32 $0x400, s5;
	s2 =	rddreg [dreg:$0x0];
	s3 =	simm.s32 $0x0  }
0x8: {  	[smem:$0x7FF] =	sst s3;
	s4 =	sadd.s32 s5, s4;
	s6 =	sshrl.u32 s6, $0x3  }
0x9: {  	_ =	strace $0x80000047;
	s7 =	sadd.s32 $0x3200, s4;
	s30 =	sadd.s32 s5, s6  }
0xa: {  	[tilespmem:s3], [sflag:$0x2] =	stream.linear.gather [hbm4b:s2+s3], $0x6400, $0x38;
	[tilespmem:$0x19000] =	vst v63  }
0xb: {  	[dreg:$0x3] =	wrdreg s7;
	s5 =	sadd.s32 $0x6400, s30  }
0xc: {  	s11 =	sadd.s32 $0x9600, s30;
	[dreg:$0x4] =	wrdreg s5  }
0xd: {  	s12 =	sadd.s32 $0xC800, s30;
	[dreg:$0x5] =	wrdreg s11  }
0xe: {  	s13 =	sadd.s32 $0xFA00, s30;
	[dreg:$0x6] =	wrdreg s12  }
0xf: {  	s14 =	sadd.s32 $0x12C00, s30;
	[dreg:$0x7] =	wrdreg s13  }
0x10: {  	s15 =	sadd.s32 $0x15E00, s30;
	[dreg:$0x8] =	wrdreg s14  }
0x11: {  	s16 =	sadd.s32 $0x19000, s30;
	[dreg:$0x9] =	wrdreg s15  }
0x12: {  	s17 =	sadd.s32 $0x1C200, s30;
	[dreg:$0xa] =	wrdreg s16  }
0x13: {  	s18 =	sadd.s32 $0x1F400, s30;
	[dreg:$0xb] =	wrdreg s17  }
0x14: {  	[dreg:$0xc] =	wrdreg s18;
	s5 =	simm.s32 $0x2  }
0x15: {  	_ =	swait.ge [sflag:s5], $0x6400  }
0x16: {  	[sflag:s5] =	ssyncset.done $0x0  }
0x17: {  	s19 =	simm.s32 $0x6400;
	[sflag:s5] =	ssyncadd.s32 $0xFFFF9C00  }
0x18: {  	[tilespmem:s19], [sflag:$0x2] =	stream.linear.gather [hbm4b:s2+s3], $0x6400, $0x38;
	[tilespmem:$0x19000] =	vst v63  }
0x19: {  	_ =	swait.ge [sflag:s5], $0x6400  }
0x1a: {  	[sflag:s5] =	ssyncset.done $0x0  }
0x1b: {  	s7 =	simm.s32 $0xC800;
	[sflag:s5] =	ssyncadd.s32 $0xFFFF9C00  }
0x1c: {  	[tilespmem:s7], [sflag:$0x2] =	stream.linear.gather [hbm4b:s2+s3], $0x6400, $0x38;
	[tilespmem:$0x19000] =	vst v63  }
0x1d: {  	_ =	swait.ge [sflag:s5], $0x6400  }
0x1e: {  	[sflag:s5] =	ssyncset.done $0x0  }
0x1f: {  	s8 =	simm.s32 $0x12C00;
	[sflag:s5] =	ssyncadd.s32 $0xFFFF9C00  }
0x20: {  	[tilespmem:s8], [sflag:$0x2] =	stream.linear.gather [hbm4b:s2+s3], $0x6400, $0x38;
	[tilespmem:$0x19000] =	vst v63  }
0x21: {  	_ =	swait.ge [sflag:s5], $0x6400  }
0x22: {  	[sflag:s5] =	ssyncset.done $0x0  }
0x23: {  	[sflag:s5] =	ssyncadd.s32 $0xFFFF9C00  }
0x24: {  	[hbm4b:s4+s3] =	stream.linear.scatter [tilespmem:s3], [sflag:$0x1], $0x19000, $0x38;
	[tilespmem:$0x19000] =	vst v63  }
0x25: {  	s9 =	rddreg [dreg:$0x3]  }
0x26: {  	[hbm4b:s9+s3] =	stream.linear.scatter [tilespmem:s3], [sflag:$0x1], $0x19000, $0x38;
	[tilespmem:$0x19000] =	vst v63  }
0x27: {  	s10 =	rddreg [dreg:$0x4]  }
0x28: {  	[hbm4b:s10+s3] =	stream.linear.scatter [tilespmem:s3], [sflag:$0x1], $0x19000, $0x38;
	[tilespmem:$0x19000] =	vst v63  }
0x29: {  	s20 =	rddreg [dreg:$0x5]  }
0x2a: {  	[hbm4b:s20+s3] =	stream.linear.scatter [tilespmem:s3], [sflag:$0x1], $0x19000, $0x38;
	[tilespmem:$0x19000] =	vst v63  }
0x2b: {  	s21 =	rddreg [dreg:$0x6]  }
0x2c: {  	[hbm4b:s21+s3] =	stream.linear.scatter [tilespmem:s3], [sflag:$0x1], $0x19000, $0x38;
	[tilespmem:$0x19000] =	vst v63  }
0x2d: {  	s22 =	rddreg [dreg:$0x7]  }
0x2e: {  	[hbm4b:s22+s3] =	stream.linear.scatter [tilespmem:s3], [sflag:$0x1], $0x19000, $0x38;
	[tilespmem:$0x19000] =	vst v63  }
0x2f: {  	s23 =	rddreg [dreg:$0x8]  }
0x30: {  	[hbm4b:s23+s3] =	stream.linear.scatter [tilespmem:s3], [sflag:$0x1], $0x19000, $0x38;
	[tilespmem:$0x19000] =	vst v63  }
0x31: {  	s24 =	rddreg [dreg:$0x9]  }
0x32: {  	[hbm4b:s24+s3] =	stream.linear.scatter [tilespmem:s3], [sflag:$0x1], $0x19000, $0x38;
	[tilespmem:$0x19000] =	vst v63  }
0x33: {  	s25 =	rddreg [dreg:$0xa]  }
0x34: {  	[hbm4b:s25+s3] =	stream.linear.scatter [tilespmem:s3], [sflag:$0x1], $0x19000, $0x38;
	[tilespmem:$0x19000] =	vst v63  }
0x35: {  	s26 =	rddreg [dreg:$0xb]  }
0x36: {  	[hbm4b:s26+s3] =	stream.linear.scatter [tilespmem:s3], [sflag:$0x1], $0x19000, $0x38;
	[tilespmem:$0x19000] =	vst v63  }
0x37: {  	s0 =	rddreg [dreg:$0xc]  }
0x38: {  	[hbm4b:s0+s3] =	stream.linear.scatter [tilespmem:s3], [sflag:$0x1], $0x19000, $0x38;
	[tilespmem:$0x19000] =	vst v63  }
0x39: {  	s9 =	sadd.s32 $0x22600, s30  }
0x3a: {  	[hbm4b:s9+s3] =	stream.linear.scatter [tilespmem:s3], [sflag:$0x1], $0x19000, $0x38;
	[tilespmem:$0x19000] =	vst v63  }
0x3b: {  	s10 =	sadd.s32 $0x25800, s30  }
0x3c: {  	[hbm4b:s10+s3] =	stream.linear.scatter [tilespmem:s3], [sflag:$0x1], $0x19000, $0x38;
	[tilespmem:$0x19000] =	vst v63  }
0x3d: {  	s11 =	sadd.s32 $0x28A00, s30  }
0x3e: {  	[hbm4b:s11+s3] =	stream.linear.scatter [tilespmem:s3], [sflag:$0x1], $0x19000, $0x38;
	[tilespmem:$0x19000] =	vst v63  }
0x3f: {  	s12 =	sadd.s32 $0x2BC00, s30  }
0x40: {  	[hbm4b:s12+s3] =	stream.linear.scatter [tilespmem:s3], [sflag:$0x1], $0x19000, $0x38;
	[tilespmem:$0x19000] =	vst v63  }
0x41: {  	s13 =	sadd.s32 $0x2EE00, s30  }
0x42: {  	[hbm4b:s13+s3] =	stream.linear.scatter [tilespmem:s3], [sflag:$0x1], $0x19000, $0x38;
	[tilespmem:$0x19000] =	vst v63  }
0x43: {  	s14 =	sadd.s32 $0x32000, s30  }
0x44: {  	[hbm4b:s14+s3] =	stream.linear.scatter [tilespmem:s3], [sflag:$0x1], $0x19000, $0x38;
	[tilespmem:$0x19000] =	vst v63  }
0x45: {  	s15 =	sadd.s32 $0x35200, s30  }
0x46: {  	[hbm4b:s15+s3] =	stream.linear.scatter [tilespmem:s3], [sflag:$0x1], $0x19000, $0x38;
	[tilespmem:$0x19000] =	vst v63  }
0x47: {  	s16 =	sadd.s32 $0x38400, s30  }
0x48: {  	[hbm4b:s16+s3] =	stream.linear.scatter [tilespmem:s3], [sflag:$0x1], $0x19000, $0x38;
	[tilespmem:$0x19000] =	vst v63  }
0x49: {  	s17 =	sadd.s32 $0x3B600, s30  }
0x4a: {  	[hbm4b:s17+s3] =	stream.linear.scatter [tilespmem:s3], [sflag:$0x1], $0x19000, $0x38;
	[tilespmem:$0x19000] =	vst v63  }
0x4b: {  	s18 =	sadd.s32 $0x3E800, s30  }
0x4c: {  	[hbm4b:s18+s3] =	stream.linear.scatter [tilespmem:s3], [sflag:$0x1], $0x19000, $0x38;
	[tilespmem:$0x19000] =	vst v63  }
0x4d: {  	s19 =	sadd.s32 $0x41A00, s30  }
0x4e: {  	[hbm4b:s19+s3] =	stream.linear.scatter [tilespmem:s3], [sflag:$0x1], $0x19000, $0x38;
	[tilespmem:$0x19000] =	vst v63  }
0x4f: {  	s20 =	sadd.s32 $0x44C00, s30  }
0x50: {  	[hbm4b:s20+s3] =	stream.linear.scatter [tilespmem:s3], [sflag:$0x1], $0x19000, $0x38;
	[tilespmem:$0x19000] =	vst v63  }
0x51: {  	s21 =	sadd.s32 $0x47E00, s30  }
0x52: {  	[hbm4b:s21+s3] =	stream.linear.scatter [tilespmem:s3], [sflag:$0x1], $0x19000, $0x38;
	[tilespmem:$0x19000] =	vst v63  }
0x53: {  	s22 =	sadd.s32 $0x4B000, s30  }
0x54: {  	[hbm4b:s22+s3] =	stream.linear.scatter [tilespmem:s3], [sflag:$0x1], $0x19000, $0x38;
	[tilespmem:$0x19000] =	vst v63  }
0x55: {  	s23 =	sadd.s32 $0x4E200, s30  }
0x56: {  	[hbm4b:s23+s3] =	stream.linear.scatter [tilespmem:s3], [sflag:$0x1], $0x19000, $0x38;
	[tilespmem:$0x19000] =	vst v63  }
0x57: {  	s24 =	sadd.s32 $0x51400, s30  }
0x58: {  	[hbm4b:s24+s3] =	stream.linear.scatter [tilespmem:s3], [sflag:$0x1], $0x19000, $0x38;
	[tilespmem:$0x19000] =	vst v63  }
0x59: {  	s25 =	sadd.s32 $0x54600, s30  }
0x5a: {  	[hbm4b:s25+s3] =	stream.linear.scatter [tilespmem:s3], [sflag:$0x1], $0x19000, $0x38;
	[tilespmem:$0x19000] =	vst v63  }
0x5b: {  	s26 =	sadd.s32 $0x57800, s30  }
0x5c: {  	[hbm4b:s26+s3] =	stream.linear.scatter [tilespmem:s3], [sflag:$0x1], $0x19000, $0x38;
	[tilespmem:$0x19000] =	vst v63  }
0x5d: {  	s28 =	sadd.s32 $0x5AA00, s30  }
0x5e: {  	[hbm4b:s28+s3] =	stream.linear.scatter [tilespmem:s3], [sflag:$0x1], $0x19000, $0x38;
	[tilespmem:$0x19000] =	vst v63  }
0x5f: {  	s29 =	sadd.s32 $0x5DC00, s30  }
0x60: {  	[hbm4b:s29+s3] =	stream.linear.scatter [tilespmem:s3], [sflag:$0x1], $0x19000, $0x38;
	[tilespmem:$0x19000] =	vst v63  }
0x61: {  	s31 =	simm.s32 $0x1;
	s30 =	sadd.s32 $0x60E00, s30  }
0x62: {  	[hbm4b:s30+s3] =	stream.linear.scatter [tilespmem:s3], [sflag:$0x1], $0x19000, $0x38;
	[tilespmem:$0x19000] =	vst v63  }
0x63: {  	_ =	swait.ge [sflag:s31], $0x19000  }
0x64: {  	[sflag:s31] =	ssyncset.done $0x0  }
0x65: {  	[sflag:s31] =	ssyncadd.s32 $0xFFFE7000  }
0x66: {  	_ =	swait.ge [sflag:s31], $0x19000  }
0x67: {  	[sflag:s31] =	ssyncset.done $0x0  }
0x68: {  	[sflag:s31] =	ssyncadd.s32 $0xFFFE7000  }
0x69: {  	_ =	swait.ge [sflag:s31], $0x19000  }
0x6a: {  	[sflag:s31] =	ssyncset.done $0x0  }
0x6b: {  	[sflag:s31] =	ssyncadd.s32 $0xFFFE7000  }
0x6c: {  	_ =	swait.ge [sflag:s31], $0x19000  }
0x6d: {  	[sflag:s31] =	ssyncset.done $0x0  }
0x6e: {  	[sflag:s31] =	ssyncadd.s32 $0xFFFE7000  }
0x6f: {  	_ =	swait.ge [sflag:s31], $0x19000  }
0x70: {  	[sflag:s31] =	ssyncset.done $0x0  }
0x71: {  	[sflag:s31] =	ssyncadd.s32 $0xFFFE7000  }
0x72: {  	_ =	swait.ge [sflag:s31], $0x19000  }
0x73: {  	[sflag:s31] =	ssyncset.done $0x0  }
0x74: {  	[sflag:s31] =	ssyncadd.s32 $0xFFFE7000  }
0x75: {  	_ =	swait.ge [sflag:s31], $0x19000  }
0x76: {  	[sflag:s31] =	ssyncset.done $0x0  }
0x77: {  	[sflag:s31] =	ssyncadd.s32 $0xFFFE7000  }
0x78: {  	_ =	swait.ge [sflag:s31], $0x19000  }
0x79: {  	[sflag:s31] =	ssyncset.done $0x0  }
0x7a: {  	[sflag:s31] =	ssyncadd.s32 $0xFFFE7000  }
0x7b: {  	_ =	swait.ge [sflag:s31], $0x19000  }
0x7c: {  	[sflag:s31] =	ssyncset.done $0x0  }
0x7d: {  	[sflag:s31] =	ssyncadd.s32 $0xFFFE7000  }
0x7e: {  	_ =	swait.ge [sflag:s31], $0x19000  }
0x7f: {  	[sflag:s31] =	ssyncset.done $0x0  }
0x80: {  	[sflag:s31] =	ssyncadd.s32 $0xFFFE7000  }
0x81: {  	_ =	swait.ge [sflag:s31], $0x19000  }
0x82: {  	[sflag:s31] =	ssyncset.done $0x0  }
0x83: {  	[sflag:s31] =	ssyncadd.s32 $0xFFFE7000  }
0x84: {  	_ =	swait.ge [sflag:s31], $0x19000  }
0x85: {  	[sflag:s31] =	ssyncset.done $0x0  }
0x86: {  	[sflag:s31] =	ssyncadd.s32 $0xFFFE7000  }
0x87: {  	_ =	swait.ge [sflag:s31], $0x19000  }
0x88: {  	[sflag:s31] =	ssyncset.done $0x0  }
0x89: {  	[sflag:s31] =	ssyncadd.s32 $0xFFFE7000  }
0x8a: {  	_ =	swait.ge [sflag:s31], $0x19000  }
0x8b: {  	[sflag:s31] =	ssyncset.done $0x0  }
0x8c: {  	[sflag:s31] =	ssyncadd.s32 $0xFFFE7000  }
0x8d: {  	_ =	swait.ge [sflag:s31], $0x19000  }
0x8e: {  	[sflag:s31] =	ssyncset.done $0x0  }
0x8f: {  	[sflag:s31] =	ssyncadd.s32 $0xFFFE7000  }
0x90: {  	_ =	swait.ge [sflag:s31], $0x19000  }
0x91: {  	[sflag:s31] =	ssyncset.done $0x0  }
0x92: {  	[sflag:s31] =	ssyncadd.s32 $0xFFFE7000  }
0x93: {  	_ =	swait.ge [sflag:s31], $0x19000  }
0x94: {  	[sflag:s31] =	ssyncset.done $0x0  }
0x95: {  	[sflag:s31] =	ssyncadd.s32 $0xFFFE7000  }
0x96: {  	_ =	swait.ge [sflag:s31], $0x19000  }
0x97: {  	[sflag:s31] =	ssyncset.done $0x0  }
0x98: {  	[sflag:s31] =	ssyncadd.s32 $0xFFFE7000  }
0x99: {  	_ =	swait.ge [sflag:s31], $0x19000  }
0x9a: {  	[sflag:s31] =	ssyncset.done $0x0  }
0x9b: {  	[sflag:s31] =	ssyncadd.s32 $0xFFFE7000  }
0x9c: {  	_ =	swait.ge [sflag:s31], $0x19000  }
0x9d: {  	[sflag:s31] =	ssyncset.done $0x0  }
0x9e: {  	[sflag:s31] =	ssyncadd.s32 $0xFFFE7000  }
0x9f: {  	_ =	swait.ge [sflag:s31], $0x19000  }
0xa0: {  	[sflag:s31] =	ssyncset.done $0x0  }
0xa1: {  	[sflag:s31] =	ssyncadd.s32 $0xFFFE7000  }
0xa2: {  	_ =	swait.ge [sflag:s31], $0x19000  }
0xa3: {  	[sflag:s31] =	ssyncset.done $0x0  }
0xa4: {  	[sflag:s31] =	ssyncadd.s32 $0xFFFE7000  }
0xa5: {  	_ =	swait.ge [sflag:s31], $0x19000  }
0xa6: {  	[sflag:s31] =	ssyncset.done $0x0  }
0xa7: {  	[sflag:s31] =	ssyncadd.s32 $0xFFFE7000  }
0xa8: {  	_ =	swait.ge [sflag:s31], $0x19000  }
0xa9: {  	[sflag:s31] =	ssyncset.done $0x0  }
0xaa: {  	[sflag:s31] =	ssyncadd.s32 $0xFFFE7000  }
0xab: {  	_ =	swait.ge [sflag:s31], $0x19000  }
0xac: {  	[sflag:s31] =	ssyncset.done $0x0  }
0xad: {  	[sflag:s31] =	ssyncadd.s32 $0xFFFE7000  }
0xae: {  	_ =	swait.ge [sflag:s31], $0x19000  }
0xaf: {  	[sflag:s31] =	ssyncset.done $0x0  }
0xb0: {  	[sflag:s31] =	ssyncadd.s32 $0xFFFE7000  }
0xb1: {  	_ =	swait.ge [sflag:s31], $0x19000  }
0xb2: {  	[sflag:s31] =	ssyncset.done $0x0  }
0xb3: {  	[sflag:s31] =	ssyncadd.s32 $0xFFFE7000  }
0xb4: {  	_ =	swait.ge [sflag:s31], $0x19000  }
0xb5: {  	[sflag:s31] =	ssyncset.done $0x0  }
0xb6: {  	[sflag:s31] =	ssyncadd.s32 $0xFFFE7000  }
0xb7: {  	_ =	swait.ge [sflag:s31], $0x19000  }
0xb8: {  	s1 =	ssub.s32 $0x2, s1;
	[sflag:s31] =	ssyncset.done $0x0  }
0xb9: {  	s6 =	sshrl.u32 s1, $0x1;
	[sflag:s31] =	ssyncadd.s32 $0xFFFE7000  }
0xba: {  	s0 =	ssub.s32 s1, s6;
	_ =	swait.ge [sflag:s31], $0x19000  }
0xbb: {  	s0 =	smax.u32 s0, $0x1;
	[sflag:s31] =	ssyncset.done $0x0  }
0xbc: {  	p0 =	sne.s32 s0, $0x1;
	[sflag:s31] =	ssyncadd.s32 $0xFFFE7000  }
.Ltmp0:
0xbd: {  	_ =	swait.ge [sflag:s31], $0x19000;
	(pc) =	sbr.rel @!p0 .LBB2_2-.Ltmp0, $4  }
0xbe: {  	[sflag:s31] =	ssyncset.done $0x0  }
0xbf: {  	[sflag:s31] =	ssyncadd.s32 $0xFFFE7000  }
0xc0: {  	_ =	swait.ge [sflag:s31], $0x19000  }
0xc1: {  	s1 =	sadd.s32 $0xFFFFFFFF, s0;
	[sflag:s31] =	ssyncset.done $0x0  }
.LBB2_1:
0xc2: {  	[sflag:s31] =	ssyncadd.s32 $0xFFFE7000  }
0xc3: {  	[tilespmem:s3], [sflag:$0x2] =	stream.linear.gather [hbm4b:s2+s3], $0x6400, $0x38;
	[tilespmem:$0x19000] =	vst v63  }
0xc4: {  	_ =	swait.ge [sflag:s5], $0x6400  }
0xc5: {  	[sflag:s5] =	ssyncset.done $0x0  }
0xc6: {  	s0 =	simm.s32 $0x6400;
	[sflag:s5] =	ssyncadd.s32 $0xFFFF9C00  }
0xc7: {  	[tilespmem:s0], [sflag:$0x2] =	stream.linear.gather [hbm4b:s2+s3], $0x6400, $0x38;
	[tilespmem:$0x19000] =	vst v63  }
0xc8: {  	_ =	swait.ge [sflag:s5], $0x6400  }
0xc9: {  	[sflag:s5] =	ssyncset.done $0x0  }
0xca: {  	[sflag:s5] =	ssyncadd.s32 $0xFFFF9C00  }
0xcb: {  	[tilespmem:s7], [sflag:$0x2] =	stream.linear.gather [hbm4b:s2+s3], $0x6400, $0x38;
	[tilespmem:$0x19000] =	vst v63  }
0xcc: {  	_ =	swait.ge [sflag:s5], $0x6400  }
0xcd: {  	[sflag:s5] =	ssyncset.done $0x0  }
0xce: {  	[sflag:s5] =	ssyncadd.s32 $0xFFFF9C00  }
0xcf: {  	[tilespmem:s8], [sflag:$0x2] =	stream.linear.gather [hbm4b:s2+s3], $0x6400, $0x38;
	[tilespmem:$0x19000] =	vst v63  }
0xd0: {  	_ =	swait.ge [sflag:s5], $0x6400  }
0xd1: {  	[sflag:s5] =	ssyncset.done $0x0  }
0xd2: {  	[sflag:s5] =	ssyncadd.s32 $0xFFFF9C00  }
0xd3: {  	[hbm4b:s4+s3] =	stream.linear.scatter [tilespmem:s3], [sflag:$0x1], $0x19000, $0x38;
	[tilespmem:$0x19000] =	vst v63  }
0xd4: {  	s0 =	rddreg [dreg:$0x3]  }
0xd5: {  	[hbm4b:s0+s3] =	stream.linear.scatter [tilespmem:s3], [sflag:$0x1], $0x19000, $0x38;
	[tilespmem:$0x19000] =	vst v63  }
0xd6: {  	s6 =	rddreg [dreg:$0x4]  }
0xd7: {  	[hbm4b:s6+s3] =	stream.linear.scatter [tilespmem:s3], [sflag:$0x1], $0x19000, $0x38;
	[tilespmem:$0x19000] =	vst v63  }
0xd8: {  	s0 =	rddreg [dreg:$0x5]  }
0xd9: {  	[hbm4b:s0+s3] =	stream.linear.scatter [tilespmem:s3], [sflag:$0x1], $0x19000, $0x38;
	[tilespmem:$0x19000] =	vst v63  }
0xda: {  	s6 =	rddreg [dreg:$0x6]  }
0xdb: {  	[hbm4b:s6+s3] =	stream.linear.scatter [tilespmem:s3], [sflag:$0x1], $0x19000, $0x38;
	[tilespmem:$0x19000] =	vst v63  }
0xdc: {  	s0 =	rddreg [dreg:$0x7]  }
0xdd: {  	[hbm4b:s0+s3] =	stream.linear.scatter [tilespmem:s3], [sflag:$0x1], $0x19000, $0x38;
	[tilespmem:$0x19000] =	vst v63  }
0xde: {  	s6 =	rddreg [dreg:$0x8]  }
0xdf: {  	[hbm4b:s6+s3] =	stream.linear.scatter [tilespmem:s3], [sflag:$0x1], $0x19000, $0x38;
	[tilespmem:$0x19000] =	vst v63  }
0xe0: {  	s0 =	rddreg [dreg:$0x9]  }
0xe1: {  	[hbm4b:s0+s3] =	stream.linear.scatter [tilespmem:s3], [sflag:$0x1], $0x19000, $0x38;
	[tilespmem:$0x19000] =	vst v63  }
0xe2: {  	s6 =	rddreg [dreg:$0xa]  }
0xe3: {  	[hbm4b:s6+s3] =	stream.linear.scatter [tilespmem:s3], [sflag:$0x1], $0x19000, $0x38;
	[tilespmem:$0x19000] =	vst v63  }
0xe4: {  	s0 =	rddreg [dreg:$0xb]  }
0xe5: {  	[hbm4b:s0+s3] =	stream.linear.scatter [tilespmem:s3], [sflag:$0x1], $0x19000, $0x38;
	[tilespmem:$0x19000] =	vst v63  }
0xe6: {  	s6 =	rddreg [dreg:$0xc]  }
0xe7: {  	[hbm4b:s6+s3] =	stream.linear.scatter [tilespmem:s3], [sflag:$0x1], $0x19000, $0x38;
	[tilespmem:$0x19000] =	vst v63  }
0xe8: {  	_ = 	snop  }
0xe9: {  	[hbm4b:s9+s3] =	stream.linear.scatter [tilespmem:s3], [sflag:$0x1], $0x19000, $0x38;
	[tilespmem:$0x19000] =	vst v63  }
0xea: {  	_ = 	snop  }
0xeb: {  	[hbm4b:s10+s3] =	stream.linear.scatter [tilespmem:s3], [sflag:$0x1], $0x19000, $0x38;
	[tilespmem:$0x19000] =	vst v63  }
0xec: {  	_ = 	snop  }
0xed: {  	[hbm4b:s11+s3] =	stream.linear.scatter [tilespmem:s3], [sflag:$0x1], $0x19000, $0x38;
	[tilespmem:$0x19000] =	vst v63  }
0xee: {  	_ = 	snop  }
0xef: {  	[hbm4b:s12+s3] =	stream.linear.scatter [tilespmem:s3], [sflag:$0x1], $0x19000, $0x38;
	[tilespmem:$0x19000] =	vst v63  }
0xf0: {  	_ = 	snop  }
0xf1: {  	[hbm4b:s13+s3] =	stream.linear.scatter [tilespmem:s3], [sflag:$0x1], $0x19000, $0x38;
	[tilespmem:$0x19000] =	vst v63  }
0xf2: {  	_ = 	snop  }
0xf3: {  	[hbm4b:s14+s3] =	stream.linear.scatter [tilespmem:s3], [sflag:$0x1], $0x19000, $0x38;
	[tilespmem:$0x19000] =	vst v63  }
0xf4: {  	_ = 	snop  }
0xf5: {  	[hbm4b:s15+s3] =	stream.linear.scatter [tilespmem:s3], [sflag:$0x1], $0x19000, $0x38;
	[tilespmem:$0x19000] =	vst v63  }
0xf6: {  	_ = 	snop  }
0xf7: {  	[hbm4b:s16+s3] =	stream.linear.scatter [tilespmem:s3], [sflag:$0x1], $0x19000, $0x38;
	[tilespmem:$0x19000] =	vst v63  }
0xf8: {  	_ = 	snop  }
0xf9: {  	[hbm4b:s17+s3] =	stream.linear.scatter [tilespmem:s3], [sflag:$0x1], $0x19000, $0x38;
	[tilespmem:$0x19000] =	vst v63  }
0xfa: {  	_ = 	snop  }
0xfb: {  	[hbm4b:s18+s3] =	stream.linear.scatter [tilespmem:s3], [sflag:$0x1], $0x19000, $0x38;
	[tilespmem:$0x19000] =	vst v63  }
0xfc: {  	_ = 	snop  }
0xfd: {  	[hbm4b:s19+s3] =	stream.linear.scatter [tilespmem:s3], [sflag:$0x1], $0x19000, $0x38;
	[tilespmem:$0x19000] =	vst v63  }
0xfe: {  	_ = 	snop  }
0xff: {  	[hbm4b:s20+s3] =	stream.linear.scatter [tilespmem:s3], [sflag:$0x1], $0x19000, $0x38;
	[tilespmem:$0x19000] =	vst v63  }
0x100: {  	_ = 	snop  }
0x101: {  	[hbm4b:s21+s3] =	stream.linear.scatter [tilespmem:s3], [sflag:$0x1], $0x19000, $0x38;
	[tilespmem:$0x19000] =	vst v63  }
0x102: {  	_ = 	snop  }
0x103: {  	[hbm4b:s22+s3] =	stream.linear.scatter [tilespmem:s3], [sflag:$0x1], $0x19000, $0x38;
	[tilespmem:$0x19000] =	vst v63  }
0x104: {  	_ = 	snop  }
0x105: {  	[hbm4b:s23+s3] =	stream.linear.scatter [tilespmem:s3], [sflag:$0x1], $0x19000, $0x38;
	[tilespmem:$0x19000] =	vst v63  }
0x106: {  	_ = 	snop  }
0x107: {  	[hbm4b:s24+s3] =	stream.linear.scatter [tilespmem:s3], [sflag:$0x1], $0x19000, $0x38;
	[tilespmem:$0x19000] =	vst v63  }
0x108: {  	_ = 	snop  }
0x109: {  	[hbm4b:s25+s3] =	stream.linear.scatter [tilespmem:s3], [sflag:$0x1], $0x19000, $0x38;
	[tilespmem:$0x19000] =	vst v63  }
0x10a: {  	_ = 	snop  }
0x10b: {  	[hbm4b:s26+s3] =	stream.linear.scatter [tilespmem:s3], [sflag:$0x1], $0x19000, $0x38;
	[tilespmem:$0x19000] =	vst v63  }
0x10c: {  	_ = 	snop  }
0x10d: {  	[hbm4b:s28+s3] =	stream.linear.scatter [tilespmem:s3], [sflag:$0x1], $0x19000, $0x38;
	[tilespmem:$0x19000] =	vst v63  }
0x10e: {  	_ = 	snop  }
0x10f: {  	[hbm4b:s29+s3] =	stream.linear.scatter [tilespmem:s3], [sflag:$0x1], $0x19000, $0x38;
	[tilespmem:$0x19000] =	vst v63  }
0x110: {  	_ = 	snop  }
0x111: {  	[hbm4b:s30+s3] =	stream.linear.scatter [tilespmem:s3], [sflag:$0x1], $0x19000, $0x38;
	[tilespmem:$0x19000] =	vst v63  }
0x112: {  	_ =	swait.ge [sflag:s31], $0x19000  }
0x113: {  	[sflag:s31] =	ssyncset.done $0x0  }
0x114: {  	[sflag:s31] =	ssyncadd.s32 $0xFFFE7000  }
0x115: {  	_ =	swait.ge [sflag:s31], $0x19000  }
0x116: {  	[sflag:s31] =	ssyncset.done $0x0  }
0x117: {  	[sflag:s31] =	ssyncadd.s32 $0xFFFE7000  }
0x118: {  	_ =	swait.ge [sflag:s31], $0x19000  }
0x119: {  	[sflag:s31] =	ssyncset.done $0x0  }
0x11a: {  	[sflag:s31] =	ssyncadd.s32 $0xFFFE7000  }
0x11b: {  	_ =	swait.ge [sflag:s31], $0x19000  }
0x11c: {  	[sflag:s31] =	ssyncset.done $0x0  }
0x11d: {  	[sflag:s31] =	ssyncadd.s32 $0xFFFE7000  }
0x11e: {  	_ =	swait.ge [sflag:s31], $0x19000  }
0x11f: {  	[sflag:s31] =	ssyncset.done $0x0  }
0x120: {  	[sflag:s31] =	ssyncadd.s32 $0xFFFE7000  }
0x121: {  	_ =	swait.ge [sflag:s31], $0x19000  }
0x122: {  	[sflag:s31] =	ssyncset.done $0x0  }
0x123: {  	[sflag:s31] =	ssyncadd.s32 $0xFFFE7000  }
0x124: {  	_ =	swait.ge [sflag:s31], $0x19000  }
0x125: {  	[sflag:s31] =	ssyncset.done $0x0  }
0x126: {  	[sflag:s31] =	ssyncadd.s32 $0xFFFE7000  }
0x127: {  	_ =	swait.ge [sflag:s31], $0x19000  }
0x128: {  	[sflag:s31] =	ssyncset.done $0x0  }
0x129: {  	[sflag:s31] =	ssyncadd.s32 $0xFFFE7000  }
0x12a: {  	_ =	swait.ge [sflag:s31], $0x19000  }
0x12b: {  	[sflag:s31] =	ssyncset.done $0x0  }
0x12c: {  	[sflag:s31] =	ssyncadd.s32 $0xFFFE7000  }
0x12d: {  	_ =	swait.ge [sflag:s31], $0x19000  }
0x12e: {  	[sflag:s31] =	ssyncset.done $0x0  }
0x12f: {  	[sflag:s31] =	ssyncadd.s32 $0xFFFE7000  }
0x130: {  	_ =	swait.ge [sflag:s31], $0x19000  }
0x131: {  	[sflag:s31] =	ssyncset.done $0x0  }
0x132: {  	[sflag:s31] =	ssyncadd.s32 $0xFFFE7000  }
0x133: {  	_ =	swait.ge [sflag:s31], $0x19000  }
0x134: {  	[sflag:s31] =	ssyncset.done $0x0  }
0x135: {  	[sflag:s31] =	ssyncadd.s32 $0xFFFE7000  }
0x136: {  	_ =	swait.ge [sflag:s31], $0x19000  }
0x137: {  	[sflag:s31] =	ssyncset.done $0x0  }
0x138: {  	[sflag:s31] =	ssyncadd.s32 $0xFFFE7000  }
0x139: {  	_ =	swait.ge [sflag:s31], $0x19000  }
0x13a: {  	[sflag:s31] =	ssyncset.done $0x0  }
0x13b: {  	[sflag:s31] =	ssyncadd.s32 $0xFFFE7000  }
0x13c: {  	_ =	swait.ge [sflag:s31], $0x19000  }
0x13d: {  	[sflag:s31] =	ssyncset.done $0x0  }
0x13e: {  	[sflag:s31] =	ssyncadd.s32 $0xFFFE7000  }
0x13f: {  	_ =	swait.ge [sflag:s31], $0x19000  }
0x140: {  	[sflag:s31] =	ssyncset.done $0x0  }
0x141: {  	[sflag:s31] =	ssyncadd.s32 $0xFFFE7000  }
0x142: {  	_ =	swait.ge [sflag:s31], $0x19000  }
0x143: {  	[sflag:s31] =	ssyncset.done $0x0  }
0x144: {  	[sflag:s31] =	ssyncadd.s32 $0xFFFE7000  }
0x145: {  	_ =	swait.ge [sflag:s31], $0x19000  }
0x146: {  	[sflag:s31] =	ssyncset.done $0x0  }
0x147: {  	[sflag:s31] =	ssyncadd.s32 $0xFFFE7000  }
0x148: {  	_ =	swait.ge [sflag:s31], $0x19000  }
0x149: {  	[sflag:s31] =	ssyncset.done $0x0  }
0x14a: {  	[sflag:s31] =	ssyncadd.s32 $0xFFFE7000  }
0x14b: {  	_ =	swait.ge [sflag:s31], $0x19000  }
0x14c: {  	[sflag:s31] =	ssyncset.done $0x0  }
0x14d: {  	[sflag:s31] =	ssyncadd.s32 $0xFFFE7000  }
0x14e: {  	_ =	swait.ge [sflag:s31], $0x19000  }
0x14f: {  	[sflag:s31] =	ssyncset.done $0x0  }
0x150: {  	[sflag:s31] =	ssyncadd.s32 $0xFFFE7000  }
0x151: {  	_ =	swait.ge [sflag:s31], $0x19000  }
0x152: {  	[sflag:s31] =	ssyncset.done $0x0  }
0x153: {  	[sflag:s31] =	ssyncadd.s32 $0xFFFE7000  }
0x154: {  	_ =	swait.ge [sflag:s31], $0x19000  }
0x155: {  	[sflag:s31] =	ssyncset.done $0x0  }
0x156: {  	[sflag:s31] =	ssyncadd.s32 $0xFFFE7000  }
0x157: {  	_ =	swait.ge [sflag:s31], $0x19000  }
0x158: {  	[sflag:s31] =	ssyncset.done $0x0  }
0x159: {  	[sflag:s31] =	ssyncadd.s32 $0xFFFE7000  }
0x15a: {  	_ =	swait.ge [sflag:s31], $0x19000  }
0x15b: {  	[sflag:s31] =	ssyncset.done $0x0  }
0x15c: {  	[sflag:s31] =	ssyncadd.s32 $0xFFFE7000  }
0x15d: {  	_ =	swait.ge [sflag:s31], $0x19000  }
0x15e: {  	[sflag:s31] =	ssyncset.done $0x0  }
0x15f: {  	[sflag:s31] =	ssyncadd.s32 $0xFFFE7000  }
0x160: {  	_ =	swait.ge [sflag:s31], $0x19000  }
0x161: {  	[sflag:s31] =	ssyncset.done $0x0  }
0x162: {  	[sflag:s31] =	ssyncadd.s32 $0xFFFE7000  }
0x163: {  	_ =	swait.ge [sflag:s31], $0x19000  }
0x164: {  	[sflag:s31] =	ssyncset.done $0x0  }
0x165: {  	[sflag:s31] =	ssyncadd.s32 $0xFFFE7000  }
0x166: {  	_ =	swait.ge [sflag:s31], $0x19000  }
0x167: {  	[sflag:s31] =	ssyncset.done $0x0  }
0x168: {  	[sflag:s31] =	ssyncadd.s32 $0xFFFE7000  }
0x169: {  	_ =	swait.ge [sflag:s31], $0x19000  }
0x16a: {  	[sflag:s31] =	ssyncset.done $0x0  }
0x16b: {  	p0 =	sne.s32 s1, $0x1;
	[sflag:s31] =	ssyncadd.s32 $0xFFFE7000  }
.Ltmp1:
0x16c: {  	_ =	swait.ge [sflag:s31], $0x19000;
	(pc) =	sbr.rel @p0 .LBB2_1-.Ltmp1, $4  }
0x16d: {  	[sflag:s31] =	ssyncset.done $0x0  }
0x16e: {  	[sflag:s31] =	ssyncadd.s32 $0xFFFE7000  }
0x16f: {  	_ =	swait.ge [sflag:s31], $0x19000  }
0x170: {  	s1 =	sadd.s32 $0xFFFFFFFF, s1;
	[sflag:s31] =	ssyncset.done $0x0  }
.LBB2_2:
0x171: {  	[sflag:s31] =	ssyncadd.s32 $0xFFFE7000  }
0x172: {  	_ =	sfence.sel $0x180000  }
0x173: {  	[bflag:$0x0] =	sbarrier.arrive $0xFFFF  }
0x174: {  	_ =	strace $0x90000047  }
0x175: {  	s0 =	stileid.u32;
	[bflag:$0x2] =	sbarrier.arrive $0xFFFF  }
0x176: {  	p0 =	sne.s32 s0, $0x0;
	s0 =	rddreg [dreg:$0x2]  }
0x177: {  	s0 =	sadd.s32 @!p0 $0x100000, s0  }
0x178: {  	[sflag:s0] =	ssyncadd.tile.s32 @!p0 $0x1;
	_ =	shalt  }
.Lfunc_end2:
_tile_overlayer_lowered:
.L_overlay_start_2:
0x179: {  	(tag) =	ssettag $0x2  }
0x17a: {  	s0 =	rddreg [dreg:$0x0];
	s2 =	stileid.u32  }
0x17b: {  	s1 =	rddreg [dreg:$0x1];
	p0 =	sne.s32 s2, $0x0  }
0x17c: {  	s3 =	rddreg [dreg:$0x2];
	[bflag:$0x3] =	sbarrier.arrive $0xFFFF;
	s2 =	simm.s32 @!p0 $0x1C02  }
0x17d: {  	[timem:s3], [sflag:s2] =	dma.local @!p0 [hbm:s0], s1  }
0x17e: {  	s0 =	simm.s32 @!p0 $0x2  }
0x17f: {  	_ =	swait.ge @!p0 [sflag:s0], s1  }
0x180: {  	s1 =	ssub.s32 @!p0 $0x0, s1;
	[sflag:s0] =	ssyncset.done @!p0 $0x0  }
0x181: {  	[sflag:s0] =	ssyncadd.s32 @!p0 s1  }
0x182: {  	[bflag:$0x3] =	sbarrier.arrive $0xFFFF  }
0x183: {  	_ =	shalt  }

</sc_bundles>
